<compile_context>
chip_gen: v7x
topology: tpu7x:2x2x1
jax: 0.10.2.dev20260603
libtpu: 0.0.44.dev20260713+nightly
codegen_flags: <defaults>
</compile_context>

<pallas_src>
import jax
import jax.numpy as jnp
from jax import lax
from jax.experimental import pallas as pl
from jax.experimental.pallas import tpu as pltpu
from jax.experimental.pallas import tpu_sc as plsc

N = 10000
E = 320000
D_IN = 128
D_HID = 64
D_OUT = 128

NC = 2
NS = 16
NW = NC * NS
CHUNK = 128
K = -(-E // (NW * CHUNK))
E_PAD = NW * K * CHUNK
DUMMY = N
RPT = 640
N_ACC = NS * RPT


def _make_sc_seg(with_count: bool):
    mesh = plsc.VectorSubcoreMesh(core_axis_name="c", subcore_axis_name="s")
    acc_t = jax.ShapeDtypeStruct((NC, N_ACC, D_HID), jnp.float32)
    if with_count:
        out_type = (acc_t, jax.ShapeDtypeStruct((NC, N_ACC), jnp.float32))
    else:
        out_type = acc_t

    def body(table_hbm, src_hbm, dst_hbm, zrow_hbm, z1_hbm, ones_hbm,
             *rest):
        if with_count:
            out_hbm, cnt_hbm = rest[0], rest[1]
            scr = rest[2:]
        else:
            out_hbm = rest[0]
            scr = rest[1:]
        (srcv, dstv, rows, wbuf, wbuf1, onesv, acc_sh, cnt_sh) = scr
        cid = lax.axis_index("c")
        sid = lax.axis_index("s")
        wid = sid * NC + cid

        pltpu.sync_copy(zrow_hbm, wbuf)
        pltpu.sync_copy(wbuf, acc_sh.at[pl.ds(sid * RPT, RPT)])
        if with_count:
            pltpu.sync_copy(z1_hbm, wbuf1)
            pltpu.sync_copy(wbuf1, cnt_sh.at[pl.ds(sid * RPT, RPT)])
        pltpu.sync_copy(src_hbm.at[wid], srcv)
        pltpu.sync_copy(dst_hbm.at[wid], dstv)
        if with_count:
            pltpu.sync_copy(ones_hbm, onesv)
        plsc.subcore_barrier()

        def step(j, carry):
            pltpu.sync_copy(table_hbm.at[srcv.at[j]], rows)
            pltpu.sync_copy(rows, acc_sh.at[dstv.at[j]], add=True)
            if with_count:
                pltpu.sync_copy(onesv, cnt_sh.at[dstv.at[j]], add=True)
            return carry

        lax.fori_loop(0, K, step, 0)
        plsc.subcore_barrier()

        pltpu.sync_copy(acc_sh.at[pl.ds(sid * RPT, RPT)], wbuf)
        pltpu.sync_copy(wbuf, out_hbm.at[cid, pl.ds(sid * RPT, RPT)])
        if with_count:
            pltpu.sync_copy(cnt_sh.at[pl.ds(sid * RPT, RPT)], wbuf1)
            pltpu.sync_copy(wbuf1, cnt_hbm.at[cid, pl.ds(sid * RPT, RPT)])

    return pl.kernel(
        body,
        mesh=mesh,
        out_type=out_type,
        compiler_params=pltpu.CompilerParams(use_tc_tiling_on_sc=False),
        scratch_types=[
            pltpu.VMEM((K, CHUNK), jnp.int32),
            pltpu.VMEM((K, CHUNK), jnp.int32),
            pltpu.VMEM((CHUNK, D_HID), jnp.float32),
            pltpu.VMEM((RPT, D_HID), jnp.float32),
            pltpu.VMEM((RPT,), jnp.float32),
            pltpu.VMEM((CHUNK,), jnp.float32),
            pltpu.VMEM_SHARED((N_ACC, D_HID), jnp.float32),
            pltpu.VMEM_SHARED((N_ACC,), jnp.float32),
        ],
    )


_sc_seg_cnt = _make_sc_seg(True)
_sc_seg = _make_sc_seg(False)


def _dense_a_body(x_ref, wn_ref, wr_ref, b_ref, xa_ref, xr_ref):
    x = x_ref[...]
    xa_ref[...] = jnp.dot(x, wn_ref[...], preferred_element_type=jnp.float32)
    xr_ref[...] = (jnp.dot(x, wr_ref[...], preferred_element_type=jnp.float32)
                   + b_ref[...])


def _dense_a(x, wn, wr, b):
    return pl.pallas_call(
        _dense_a_body,
        out_shape=(jax.ShapeDtypeStruct((N, D_HID), jnp.float32),
                   jax.ShapeDtypeStruct((N, D_HID), jnp.float32)),
    )(x, wn, wr, b)


def _dense_b_body(p0_ref, p1_ref, c0_ref, c1_ref, xr_ref, h_ref, rinv_ref):
    cnt = jnp.maximum(c0_ref[...] + c1_ref[...], 1.0)
    rinv = 1.0 / cnt
    rinv_ref[...] = rinv
    h_ref[...] = jnp.maximum(
        (p0_ref[...] + p1_ref[...]) * rinv + xr_ref[...], 0.0)


def _dense_b(p0, p1, c0, c1, xr):
    return pl.pallas_call(
        _dense_b_body,
        out_shape=(jax.ShapeDtypeStruct((N, D_HID), jnp.float32),
                   jax.ShapeDtypeStruct((N, 1), jnp.float32)),
    )(p0, p1, c0, c1, xr)


def _dense_c_body(q0_ref, q1_ref, rinv_ref, h_ref, wn_ref, wr_ref, b_ref,
                  out_ref):
    mean2 = (q0_ref[...] + q1_ref[...]) * rinv_ref[...]
    z = (jnp.dot(mean2, wn_ref[...], preferred_element_type=jnp.float32)
         + jnp.dot(h_ref[...], wr_ref[...], preferred_element_type=jnp.float32)
         + b_ref[...])
    z = jnp.maximum(z, 0.0)
    z = z - jnp.max(z, axis=1, keepdims=True)
    out_ref[...] = z - jnp.log(jnp.sum(jnp.exp(z), axis=1, keepdims=True))


def _dense_c(q0, q1, rinv, h, wn, wr, b):
    return pl.pallas_call(
        _dense_c_body,
        out_shape=jax.ShapeDtypeStruct((N, D_OUT), jnp.float32),
    )(q0, q1, rinv, h, wn, wr, b)


def kernel(x, edge_index, W1_nei, W1_root, b1, W2_nei, W2_root, b2):
    src = edge_index[0].astype(jnp.int32)
    dst = edge_index[1].astype(jnp.int32)
    pad = E_PAD - E
    src_p = jnp.concatenate([src, jnp.zeros((pad,), jnp.int32)]
                            ).reshape(NW, K, CHUNK)
    dst_p = jnp.concatenate([dst, jnp.full((pad,), DUMMY, jnp.int32)]
                            ).reshape(NW, K, CHUNK)
    zrow = jnp.zeros((RPT, D_HID), jnp.float32)
    z1 = jnp.zeros((RPT,), jnp.float32)
    ones_c = jnp.ones((CHUNK,), jnp.float32)

    xa, xr = _dense_a(x, W1_nei, W1_root, b1.reshape(1, D_HID))
    parts, cnts = _sc_seg_cnt(xa, src_p, dst_p, zrow, z1, ones_c)
    h, rinv = _dense_b(parts[0, :N], parts[1, :N],
                       cnts[0, :N, None], cnts[1, :N, None], xr)
    parts2 = _sc_seg(h, src_p, dst_p, zrow, z1, ones_c)
    out = _dense_c(parts2[0, :N], parts2[1, :N], rinv, h,
                   W2_nei, W2_root, b2.reshape(1, D_OUT))
    return out

# --- scband reference (transcript-rebuilt; emitter-appended) ---
"""Pipeline reference for scband-graph-sage-26792005992987 (READ-ONLY COPY).

The authoritative reference and input builder live on the scoring server;
editing this copy changes nothing except your own understanding.
"""

import jax, jax.numpy as jnp
import numpy as np

N_NODES = 10000
N_EDGES = 320000
D_IN = 128
D_HID = 64
D_OUT = 128

def setup_inputs(seed: int = 0) -> dict:
    key = jax.random.key(seed)
    ks = jax.random.split(key, 8)
    x = jax.random.normal(ks[0], (N_NODES, D_IN), dtype=jnp.float32)
    edge_index = jax.random.randint(ks[1], (2, N_EDGES), 0, N_NODES, dtype=jnp.int64)
    s1 = 1.0 / np.sqrt(D_IN)
    s2 = 1.0 / np.sqrt(D_HID)
    W1_nei = jax.random.uniform(ks[2], (D_IN, D_HID), minval=-s1, maxval=s1, dtype=jnp.float32)
    W1_root = jax.random.uniform(ks[3], (D_IN, D_HID), minval=-s1, maxval=s1, dtype=jnp.float32)
    b1 = jnp.zeros((D_HID,), dtype=jnp.float32)
    W2_nei = jax.random.uniform(ks[4], (D_HID, D_OUT), minval=-s2, maxval=s2, dtype=jnp.float32)
    W2_root = jax.random.uniform(ks[5], (D_HID, D_OUT), minval=-s2, maxval=s2, dtype=jnp.float32)
    b2 = jnp.zeros((D_OUT,), dtype=jnp.float32)
    return {"x": x, "edge_index": edge_index, "W1_nei": W1_nei, "W1_root": W1_root, "b1": b1, "W2_nei": W2_nei, "W2_root": W2_root, "b2": b2}

def _sage_conv(x, edge_index, W_nei, W_root, b):
    src = edge_index[0]
    dst = edge_index[1]
    msgs = jnp.take(x, src, axis=0)
    agg = jax.ops.segment_sum(msgs, dst, num_segments=x.shape[0])
    cnt = jax.ops.segment_sum(jnp.ones((edge_index.shape[1],), dtype=x.dtype), dst, num_segments=x.shape[0])
    mean = agg / jnp.clip(cnt, 1.0)[:, None]
    return mean @ W_nei + x @ W_root + b

def reference(x, edge_index, W1_nei, W1_root, b1, W2_nei, W2_root, b2):
    # Layer 1 (full-graph data_flow block, training=False so dropout is identity)
    h = jax.nn.relu(_sage_conv(x, edge_index, W1_nei, W1_root, b1))
    # Layer 2
    h = jax.nn.relu(_sage_conv(h, edge_index, W2_nei, W2_root, b2))
    return jax.nn.log_softmax(h, axis=1)

if __name__ == "__main__":
    import jax
    _d = setup_inputs()
    print(jax.jit(kernel)(*tuple(_d.values())))

</pallas_src>

<mosaic_0001>
#map = affine_map<(d0, d1) -> (0, 0)>
#map1 = affine_map<(d0, d1) -> (0, 0, 0)>
#map2 = affine_map<(d0, d1) -> (0)>
module attributes {stable_mosaic.version = 14 : i64} {
  func.func @body(%arg0: i32, %arg1: i32, %arg2: memref<10000x64xf32, #tpu.memory_space<hbm>>, %arg3: memref<32x79x128xi32, #tpu.memory_space<hbm>>, %arg4: memref<32x79x128xi32, #tpu.memory_space<hbm>>, %arg5: memref<640x64xf32, #tpu.memory_space<hbm>>, %arg6: memref<640xf32, #tpu.memory_space<hbm>>, %arg7: memref<128xf32, #tpu.memory_space<hbm>>, %arg8: memref<2x10240x64xf32, #tpu.memory_space<hbm>>, %arg9: memref<2x10240xf32, #tpu.memory_space<hbm>>, %arg10: memref<79x128xi32, #tpu.memory_space<vmem>>, %arg11: memref<79x128xi32, #tpu.memory_space<vmem>>, %arg12: memref<128x64xf32, #tpu.memory_space<vmem>>, %arg13: memref<640x64xf32, #tpu.memory_space<vmem>>, %arg14: memref<640xf32, #tpu.memory_space<vmem>>, %arg15: memref<128xf32, #tpu.memory_space<vmem>>, %arg16: memref<10240x64xf32, #tpu.memory_space<vmem_shared>>, %arg17: memref<10240xf32, #tpu.memory_space<vmem_shared>>) attributes {dimension_semantics = [#tpu.dimension_semantics<core_parallel>, #tpu.dimension_semantics<subcore_parallel>], iteration_bounds = array<i64: 2, 16>, scalar_prefetch = 0 : i64, scratch_operands = 8 : i64, tpu.core_type = #tpu.core_type<sc_vector_subcore>, window_params = [{transform_indices = #map}, {transform_indices = #map1}, {transform_indices = #map1}, {transform_indices = #map}, {transform_indices = #map2}, {transform_indices = #map2}, {transform_indices = #map1}, {transform_indices = #map}]} {
    %mul3A = arith.constant 2 : i32
    %mul3A_0 = arith.muli %arg1, %mul3A : i32
    %add3A = arith.addi %mul3A_0, %arg0 : i32
    "tpu.region"() ({
      %run_scoped3A = tpu.sem_alloc : memref<!tpu.dma_semaphore, #tpu.memory_space<semaphore_mem>>
      tpu.enqueue_dma source(%arg5 : memref<640x64xf32, #tpu.memory_space<hbm>>) target(%arg13 : memref<640x64xf32, #tpu.memory_space<vmem>>) target_semaphore(%run_scoped3A : memref<!tpu.dma_semaphore, #tpu.memory_space<semaphore_mem>>)
      tpu.wait_dma2 semaphore(%run_scoped3A : memref<!tpu.dma_semaphore, #tpu.memory_space<semaphore_mem>>) src(%arg5 : memref<640x64xf32, #tpu.memory_space<hbm>>) dst(%arg13 : memref<640x64xf32, #tpu.memory_space<vmem>>)
      tpu.yield
    }) : () -> ()
    %mul3A_1 = arith.constant 640 : i32
    %mul3A_2 = arith.muli %arg1, %mul3A_1 : i32
    "tpu.region"() ({
      %run_scoped3A = tpu.sem_alloc : memref<!tpu.dma_semaphore, #tpu.memory_space<semaphore_mem>>
      %dma_start3A = arith.constant 0 : i32
      %dma_start3A_19 = tpu.memref_slice %arg16[%mul3A_2, %dma_start3A] : memref<10240x64xf32, #tpu.memory_space<vmem_shared>> -> memref<640x64xf32, #tpu.memory_space<vmem_shared>>
      %dma_start3A_20 = arith.constant 0 : i32
      %dma_start3A_21 = tpu.memref_slice %arg16[%mul3A_2, %dma_start3A_20] : memref<10240x64xf32, #tpu.memory_space<vmem_shared>> -> memref<640x64xf32, #tpu.memory_space<vmem_shared>>
      tpu.enqueue_dma source(%arg13 : memref<640x64xf32, #tpu.memory_space<vmem>>) target(%dma_start3A_21 : memref<640x64xf32, #tpu.memory_space<vmem_shared>>) target_semaphore(%run_scoped3A : memref<!tpu.dma_semaphore, #tpu.memory_space<semaphore_mem>>)
      %dma_wait3A = arith.constant 0 : i32
      %dma_wait3A_22 = tpu.memref_slice %arg16[%mul3A_2, %dma_wait3A] : memref<10240x64xf32, #tpu.memory_space<vmem_shared>> -> memref<640x64xf32, #tpu.memory_space<vmem_shared>>
      %dma_wait3A_23 = arith.constant 0 : i32
      %dma_wait3A_24 = tpu.memref_slice %arg16[%mul3A_2, %dma_wait3A_23] : memref<10240x64xf32, #tpu.memory_space<vmem_shared>> -> memref<640x64xf32, #tpu.memory_space<vmem_shared>>
      tpu.wait_dma2 semaphore(%run_scoped3A : memref<!tpu.dma_semaphore, #tpu.memory_space<semaphore_mem>>) src(%arg13 : memref<640x64xf32, #tpu.memory_space<vmem>>) dst(%dma_wait3A_24 : memref<640x64xf32, #tpu.memory_space<vmem_shared>>)
      tpu.yield
    }) : () -> ()
    "tpu.region"() ({
      %run_scoped3A = tpu.sem_alloc : memref<!tpu.dma_semaphore, #tpu.memory_space<semaphore_mem>>
      tpu.enqueue_dma source(%arg6 : memref<640xf32, #tpu.memory_space<hbm>>) target(%arg14 : memref<640xf32, #tpu.memory_space<vmem>>) target_semaphore(%run_scoped3A : memref<!tpu.dma_semaphore, #tpu.memory_space<semaphore_mem>>)
      tpu.wait_dma2 semaphore(%run_scoped3A : memref<!tpu.dma_semaphore, #tpu.memory_space<semaphore_mem>>) src(%arg6 : memref<640xf32, #tpu.memory_space<hbm>>) dst(%arg14 : memref<640xf32, #tpu.memory_space<vmem>>)
      tpu.yield
    }) : () -> ()
    %mul3A_3 = arith.constant 640 : i32
    %mul3A_4 = arith.muli %arg1, %mul3A_3 : i32
    "tpu.region"() ({
      %run_scoped3A = tpu.sem_alloc : memref<!tpu.dma_semaphore, #tpu.memory_space<semaphore_mem>>
      %dma_start3A = tpu.memref_slice %arg17[%mul3A_4] : memref<10240xf32, #tpu.memory_space<vmem_shared>> -> memref<640xf32, #tpu.memory_space<vmem_shared>>
      %dma_start3A_19 = tpu.memref_slice %arg17[%mul3A_4] : memref<10240xf32, #tpu.memory_space<vmem_shared>> -> memref<640xf32, #tpu.memory_space<vmem_shared>>
      tpu.enqueue_dma source(%arg14 : memref<640xf32, #tpu.memory_space<vmem>>) target(%dma_start3A_19 : memref<640xf32, #tpu.memory_space<vmem_shared>>) target_semaphore(%run_scoped3A : memref<!tpu.dma_semaphore, #tpu.memory_space<semaphore_mem>>)
      %dma_wait3A = tpu.memref_slice %arg17[%mul3A_4] : memref<10240xf32, #tpu.memory_space<vmem_shared>> -> memref<640xf32, #tpu.memory_space<vmem_shared>>
      %dma_wait3A_20 = tpu.memref_slice %arg17[%mul3A_4] : memref<10240xf32, #tpu.memory_space<vmem_shared>> -> memref<640xf32, #tpu.memory_space<vmem_shared>>
      tpu.wait_dma2 semaphore(%run_scoped3A : memref<!tpu.dma_semaphore, #tpu.memory_space<semaphore_mem>>) src(%arg14 : memref<640xf32, #tpu.memory_space<vmem>>) dst(%dma_wait3A_20 : memref<640xf32, #tpu.memory_space<vmem_shared>>)
      tpu.yield
    }) : () -> ()
    "tpu.region"() ({
      %run_scoped3A = tpu.sem_alloc : memref<!tpu.dma_semaphore, #tpu.memory_space<semaphore_mem>>
      %dma_start3A = arith.constant 0 : i32
      %dma_start3A_19 = arith.constant 0 : i32
      %dma_start3A_20 = tpu.memref_slice %arg3[%add3A, %dma_start3A, %dma_start3A_19] : memref<32x79x128xi32, #tpu.memory_space<hbm>> -> memref<1x79x128xi32, #tpu.memory_space<hbm>>
      %dma_start3A_21 = tpu.memref_squeeze %dma_start3A_20 : memref<1x79x128xi32, #tpu.memory_space<hbm>> -> memref<79x128xi32, #tpu.memory_space<hbm>>
      %dma_start3A_22 = arith.constant 0 : i32
      %dma_start3A_23 = arith.constant 0 : i32
      %dma_start3A_24 = tpu.memref_slice %arg3[%add3A, %dma_start3A_22, %dma_start3A_23] : memref<32x79x128xi32, #tpu.memory_space<hbm>> -> memref<1x79x128xi32, #tpu.memory_space<hbm>>
      %dma_start3A_25 = tpu.memref_squeeze %dma_start3A_24 : memref<1x79x128xi32, #tpu.memory_space<hbm>> -> memref<79x128xi32, #tpu.memory_space<hbm>>
      tpu.enqueue_dma source(%dma_start3A_25 : memref<79x128xi32, #tpu.memory_space<hbm>>) target(%arg10 : memref<79x128xi32, #tpu.memory_space<vmem>>) target_semaphore(%run_scoped3A : memref<!tpu.dma_semaphore, #tpu.memory_space<semaphore_mem>>)
      %dma_wait3A = arith.constant 0 : i32
      %dma_wait3A_26 = arith.constant 0 : i32
      %dma_wait3A_27 = tpu.memref_slice %arg3[%add3A, %dma_wait3A, %dma_wait3A_26] : memref<32x79x128xi32, #tpu.memory_space<hbm>> -> memref<1x79x128xi32, #tpu.memory_space<hbm>>
      %dma_wait3A_28 = tpu.memref_squeeze %dma_wait3A_27 : memref<1x79x128xi32, #tpu.memory_space<hbm>> -> memref<79x128xi32, #tpu.memory_space<hbm>>
      %dma_wait3A_29 = arith.constant 0 : i32
      %dma_wait3A_30 = arith.constant 0 : i32
      %dma_wait3A_31 = tpu.memref_slice %arg3[%add3A, %dma_wait3A_29, %dma_wait3A_30] : memref<32x79x128xi32, #tpu.memory_space<hbm>> -> memref<1x79x128xi32, #tpu.memory_space<hbm>>
      %dma_wait3A_32 = tpu.memref_squeeze %dma_wait3A_31 : memref<1x79x128xi32, #tpu.memory_space<hbm>> -> memref<79x128xi32, #tpu.memory_space<hbm>>
      tpu.wait_dma2 semaphore(%run_scoped3A : memref<!tpu.dma_semaphore, #tpu.memory_space<semaphore_mem>>) src(%dma_wait3A_32 : memref<79x128xi32, #tpu.memory_space<hbm>>) dst(%arg10 : memref<79x128xi32, #tpu.memory_space<vmem>>)
      tpu.yield
    }) : () -> ()
    "tpu.region"() ({
      %run_scoped3A = tpu.sem_alloc : memref<!tpu.dma_semaphore, #tpu.memory_space<semaphore_mem>>
      %dma_start3A = arith.constant 0 : i32
      %dma_start3A_19 = arith.constant 0 : i32
      %dma_start3A_20 = tpu.memref_slice %arg4[%add3A, %dma_start3A, %dma_start3A_19] : memref<32x79x128xi32, #tpu.memory_space<hbm>> -> memref<1x79x128xi32, #tpu.memory_space<hbm>>
      %dma_start3A_21 = tpu.memref_squeeze %dma_start3A_20 : memref<1x79x128xi32, #tpu.memory_space<hbm>> -> memref<79x128xi32, #tpu.memory_space<hbm>>
      %dma_start3A_22 = arith.constant 0 : i32
      %dma_start3A_23 = arith.constant 0 : i32
      %dma_start3A_24 = tpu.memref_slice %arg4[%add3A, %dma_start3A_22, %dma_start3A_23] : memref<32x79x128xi32, #tpu.memory_space<hbm>> -> memref<1x79x128xi32, #tpu.memory_space<hbm>>
      %dma_start3A_25 = tpu.memref_squeeze %dma_start3A_24 : memref<1x79x128xi32, #tpu.memory_space<hbm>> -> memref<79x128xi32, #tpu.memory_space<hbm>>
      tpu.enqueue_dma source(%dma_start3A_25 : memref<79x128xi32, #tpu.memory_space<hbm>>) target(%arg11 : memref<79x128xi32, #tpu.memory_space<vmem>>) target_semaphore(%run_scoped3A : memref<!tpu.dma_semaphore, #tpu.memory_space<semaphore_mem>>)
      %dma_wait3A = arith.constant 0 : i32
      %dma_wait3A_26 = arith.constant 0 : i32
      %dma_wait3A_27 = tpu.memref_slice %arg4[%add3A, %dma_wait3A, %dma_wait3A_26] : memref<32x79x128xi32, #tpu.memory_space<hbm>> -> memref<1x79x128xi32, #tpu.memory_space<hbm>>
      %dma_wait3A_28 = tpu.memref_squeeze %dma_wait3A_27 : memref<1x79x128xi32, #tpu.memory_space<hbm>> -> memref<79x128xi32, #tpu.memory_space<hbm>>
      %dma_wait3A_29 = arith.constant 0 : i32
      %dma_wait3A_30 = arith.constant 0 : i32
      %dma_wait3A_31 = tpu.memref_slice %arg4[%add3A, %dma_wait3A_29, %dma_wait3A_30] : memref<32x79x128xi32, #tpu.memory_space<hbm>> -> memref<1x79x128xi32, #tpu.memory_space<hbm>>
      %dma_wait3A_32 = tpu.memref_squeeze %dma_wait3A_31 : memref<1x79x128xi32, #tpu.memory_space<hbm>> -> memref<79x128xi32, #tpu.memory_space<hbm>>
      tpu.wait_dma2 semaphore(%run_scoped3A : memref<!tpu.dma_semaphore, #tpu.memory_space<semaphore_mem>>) src(%dma_wait3A_32 : memref<79x128xi32, #tpu.memory_space<hbm>>) dst(%arg11 : memref<79x128xi32, #tpu.memory_space<vmem>>)
      tpu.yield
    }) : () -> ()
    "tpu.region"() ({
      %run_scoped3A = tpu.sem_alloc : memref<!tpu.dma_semaphore, #tpu.memory_space<semaphore_mem>>
      tpu.enqueue_dma source(%arg7 : memref<128xf32, #tpu.memory_space<hbm>>) target(%arg15 : memref<128xf32, #tpu.memory_space<vmem>>) target_semaphore(%run_scoped3A : memref<!tpu.dma_semaphore, #tpu.memory_space<semaphore_mem>>)
      tpu.wait_dma2 semaphore(%run_scoped3A : memref<!tpu.dma_semaphore, #tpu.memory_space<semaphore_mem>>) src(%arg7 : memref<128xf32, #tpu.memory_space<hbm>>) dst(%arg15 : memref<128xf32, #tpu.memory_space<vmem>>)
      tpu.yield
    }) : () -> ()
    %barrier3A = arith.constant 0 : index
    tpu.barrier barrier_id(%barrier3A)
    %scan3A = arith.constant 0 : i32
    %scan3A_5 = arith.constant 0 : i32
    %scan3A_6 = arith.constant 79 : i32
    %scan3A_7 = arith.addi %scan3A_5, %scan3A_6 : i32
    %scan3A_8 = arith.constant 1 : i32
    scf.for %scan3A_19 = %scan3A_5 to %scan3A_7 step %scan3A_8  : i32 {
      "tpu.region"() ({
        %run_scoped3A = tpu.sem_alloc : memref<!tpu.dma_semaphore, #tpu.memory_space<semaphore_mem>>
        %dma_start3A = arith.constant 0 : i32
        %dma_start3A_20 = tpu.memref_slice %arg10[%scan3A_19, %dma_start3A] : memref<79x128xi32, #tpu.memory_space<vmem>> -> memref<1x128xi32, #tpu.memory_space<vmem>>
        %dma_start3A_21 = tpu.memref_squeeze %dma_start3A_20 : memref<1x128xi32, #tpu.memory_space<vmem>> -> memref<128xi32, #tpu.memory_space<vmem>>
        %dma_start3A_22 = arith.constant 0 : i32
        %dma_start3A_23 = arith.constant 0 : i32
        %dma_start3A_24 = tpu.memref_slice %arg2[%dma_start3A_22, %dma_start3A_23] : memref<10000x64xf32, #tpu.memory_space<hbm>> -> memref<10000x64xf32, #tpu.memory_space<hbm>>
        tpu.enqueue_indirect_dma source(%dma_start3A_24 : memref<10000x64xf32, #tpu.memory_space<hbm>>) target(%arg12 : memref<128x64xf32, #tpu.memory_space<vmem>>) offsets(%dma_start3A_21 : memref<128xi32, #tpu.memory_space<vmem>>) semaphore(%run_scoped3A : memref<!tpu.dma_semaphore, #tpu.memory_space<semaphore_mem>>)
        %dma_wait3A = arith.constant 0 : i32
        %dma_wait3A_25 = tpu.memref_slice %arg10[%scan3A_19, %dma_wait3A] : memref<79x128xi32, #tpu.memory_space<vmem>> -> memref<1x128xi32, #tpu.memory_space<vmem>>
        %dma_wait3A_26 = tpu.memref_squeeze %dma_wait3A_25 : memref<1x128xi32, #tpu.memory_space<vmem>> -> memref<128xi32, #tpu.memory_space<vmem>>
        %dma_wait3A_27 = arith.constant 0 : i32
        %dma_wait3A_28 = arith.constant 0 : i32
        %dma_wait3A_29 = tpu.memref_slice %arg2[%dma_wait3A_27, %dma_wait3A_28] : memref<10000x64xf32, #tpu.memory_space<hbm>> -> memref<10000x64xf32, #tpu.memory_space<hbm>>
        tpu.wait_indirect_dma semaphore(%run_scoped3A : memref<!tpu.dma_semaphore, #tpu.memory_space<semaphore_mem>>) src(%dma_wait3A_29 : memref<10000x64xf32, #tpu.memory_space<hbm>>) dst(%arg12 : memref<128x64xf32, #tpu.memory_space<vmem>>)
        tpu.yield
      }) : () -> ()
      "tpu.region"() ({
        %run_scoped3A = tpu.sem_alloc : memref<!tpu.dma_semaphore, #tpu.memory_space<semaphore_mem>>
        %dma_start3A = arith.constant 0 : i32
        %dma_start3A_20 = tpu.memref_slice %arg11[%scan3A_19, %dma_start3A] : memref<79x128xi32, #tpu.memory_space<vmem>> -> memref<1x128xi32, #tpu.memory_space<vmem>>
        %dma_start3A_21 = tpu.memref_squeeze %dma_start3A_20 : memref<1x128xi32, #tpu.memory_space<vmem>> -> memref<128xi32, #tpu.memory_space<vmem>>
        %dma_start3A_22 = arith.constant 0 : i32
        %dma_start3A_23 = arith.constant 0 : i32
        %dma_start3A_24 = tpu.memref_slice %arg16[%dma_start3A_22, %dma_start3A_23] : memref<10240x64xf32, #tpu.memory_space<vmem_shared>> -> memref<10240x64xf32, #tpu.memory_space<vmem_shared>>
        tpu.enqueue_indirect_dma source(%arg12 : memref<128x64xf32, #tpu.memory_space<vmem>>) target(%dma_start3A_24 : memref<10240x64xf32, #tpu.memory_space<vmem_shared>>) offsets(%dma_start3A_21 : memref<128xi32, #tpu.memory_space<vmem>>) semaphore(%run_scoped3A : memref<!tpu.dma_semaphore, #tpu.memory_space<semaphore_mem>>) {add = true}
        %dma_wait3A = arith.constant 0 : i32
        %dma_wait3A_25 = tpu.memref_slice %arg11[%scan3A_19, %dma_wait3A] : memref<79x128xi32, #tpu.memory_space<vmem>> -> memref<1x128xi32, #tpu.memory_space<vmem>>
        %dma_wait3A_26 = tpu.memref_squeeze %dma_wait3A_25 : memref<1x128xi32, #tpu.memory_space<vmem>> -> memref<128xi32, #tpu.memory_space<vmem>>
        %dma_wait3A_27 = arith.constant 0 : i32
        %dma_wait3A_28 = arith.constant 0 : i32
        %dma_wait3A_29 = tpu.memref_slice %arg16[%dma_wait3A_27, %dma_wait3A_28] : memref<10240x64xf32, #tpu.memory_space<vmem_shared>> -> memref<10240x64xf32, #tpu.memory_space<vmem_shared>>
        tpu.wait_indirect_dma semaphore(%run_scoped3A : memref<!tpu.dma_semaphore, #tpu.memory_space<semaphore_mem>>) src(%arg12 : memref<128x64xf32, #tpu.memory_space<vmem>>) dst(%dma_wait3A_29 : memref<10240x64xf32, #tpu.memory_space<vmem_shared>>)
        tpu.yield
      }) : () -> ()
      "tpu.region"() ({
        %run_scoped3A = tpu.sem_alloc : memref<!tpu.dma_semaphore, #tpu.memory_space<semaphore_mem>>
        %dma_start3A = arith.constant 0 : i32
        %dma_start3A_20 = tpu.memref_slice %arg11[%scan3A_19, %dma_start3A] : memref<79x128xi32, #tpu.memory_space<vmem>> -> memref<1x128xi32, #tpu.memory_space<vmem>>
        %dma_start3A_21 = tpu.memref_squeeze %dma_start3A_20 : memref<1x128xi32, #tpu.memory_space<vmem>> -> memref<128xi32, #tpu.memory_space<vmem>>
        %dma_start3A_22 = arith.constant 0 : i32
        %dma_start3A_23 = tpu.memref_slice %arg17[%dma_start3A_22] : memref<10240xf32, #tpu.memory_space<vmem_shared>> -> memref<10240xf32, #tpu.memory_space<vmem_shared>>
        tpu.enqueue_indirect_dma source(%arg15 : memref<128xf32, #tpu.memory_space<vmem>>) target(%dma_start3A_23 : memref<10240xf32, #tpu.memory_space<vmem_shared>>) offsets(%dma_start3A_21 : memref<128xi32, #tpu.memory_space<vmem>>) semaphore(%run_scoped3A : memref<!tpu.dma_semaphore, #tpu.memory_space<semaphore_mem>>) {add = true}
        %dma_wait3A = arith.constant 0 : i32
        %dma_wait3A_24 = tpu.memref_slice %arg11[%scan3A_19, %dma_wait3A] : memref<79x128xi32, #tpu.memory_space<vmem>> -> memref<1x128xi32, #tpu.memory_space<vmem>>
        %dma_wait3A_25 = tpu.memref_squeeze %dma_wait3A_24 : memref<1x128xi32, #tpu.memory_space<vmem>> -> memref<128xi32, #tpu.memory_space<vmem>>
        %dma_wait3A_26 = arith.constant 0 : i32
        %dma_wait3A_27 = tpu.memref_slice %arg17[%dma_wait3A_26] : memref<10240xf32, #tpu.memory_space<vmem_shared>> -> memref<10240xf32, #tpu.memory_space<vmem_shared>>
        tpu.wait_indirect_dma semaphore(%run_scoped3A : memref<!tpu.dma_semaphore, #tpu.memory_space<semaphore_mem>>) src(%arg15 : memref<128xf32, #tpu.memory_space<vmem>>) dst(%dma_wait3A_27 : memref<10240xf32, #tpu.memory_space<vmem_shared>>)
        tpu.yield
      }) : () -> ()
    }
    %scan3A_9 = arith.constant 79 : i32
    %barrier3A_10 = arith.constant 0 : index
    tpu.barrier barrier_id(%barrier3A_10)
    %mul3A_11 = arith.constant 640 : i32
    %mul3A_12 = arith.muli %arg1, %mul3A_11 : i32
    "tpu.region"() ({
      %run_scoped3A = tpu.sem_alloc : memref<!tpu.dma_semaphore, #tpu.memory_space<semaphore_mem>>
      %dma_start3A = arith.constant 0 : i32
      %dma_start3A_19 = tpu.memref_slice %arg16[%mul3A_12, %dma_start3A] : memref<10240x64xf32, #tpu.memory_space<vmem_shared>> -> memref<640x64xf32, #tpu.memory_space<vmem_shared>>
      %dma_start3A_20 = arith.constant 0 : i32
      %dma_start3A_21 = tpu.memref_slice %arg16[%mul3A_12, %dma_start3A_20] : memref<10240x64xf32, #tpu.memory_space<vmem_shared>> -> memref<640x64xf32, #tpu.memory_space<vmem_shared>>
      tpu.enqueue_dma source(%dma_start3A_21 : memref<640x64xf32, #tpu.memory_space<vmem_shared>>) target(%arg13 : memref<640x64xf32, #tpu.memory_space<vmem>>) target_semaphore(%run_scoped3A : memref<!tpu.dma_semaphore, #tpu.memory_space<semaphore_mem>>)
      %dma_wait3A = arith.constant 0 : i32
      %dma_wait3A_22 = tpu.memref_slice %arg16[%mul3A_12, %dma_wait3A] : memref<10240x64xf32, #tpu.memory_space<vmem_shared>> -> memref<640x64xf32, #tpu.memory_space<vmem_shared>>
      %dma_wait3A_23 = arith.constant 0 : i32
      %dma_wait3A_24 = tpu.memref_slice %arg16[%mul3A_12, %dma_wait3A_23] : memref<10240x64xf32, #tpu.memory_space<vmem_shared>> -> memref<640x64xf32, #tpu.memory_space<vmem_shared>>
      tpu.wait_dma2 semaphore(%run_scoped3A : memref<!tpu.dma_semaphore, #tpu.memory_space<semaphore_mem>>) src(%dma_wait3A_24 : memref<640x64xf32, #tpu.memory_space<vmem_shared>>) dst(%arg13 : memref<640x64xf32, #tpu.memory_space<vmem>>)
      tpu.yield
    }) : () -> ()
    %mul3A_13 = arith.constant 640 : i32
    %mul3A_14 = arith.muli %arg1, %mul3A_13 : i32
    "tpu.region"() ({
      %run_scoped3A = tpu.sem_alloc : memref<!tpu.dma_semaphore, #tpu.memory_space<semaphore_mem>>
      %dma_start3A = arith.constant 0 : i32
      %dma_start3A_19 = tpu.memref_slice %arg8[%arg0, %mul3A_14, %dma_start3A] : memref<2x10240x64xf32, #tpu.memory_space<hbm>> -> memref<1x640x64xf32, #tpu.memory_space<hbm>>
      %dma_start3A_20 = tpu.memref_squeeze %dma_start3A_19 : memref<1x640x64xf32, #tpu.memory_space<hbm>> -> memref<640x64xf32, #tpu.memory_space<hbm>>
      %dma_start3A_21 = arith.constant 0 : i32
      %dma_start3A_22 = tpu.memref_slice %arg8[%arg0, %mul3A_14, %dma_start3A_21] : memref<2x10240x64xf32, #tpu.memory_space<hbm>> -> memref<1x640x64xf32, #tpu.memory_space<hbm>>
      %dma_start3A_23 = tpu.memref_squeeze %dma_start3A_22 : memref<1x640x64xf32, #tpu.memory_space<hbm>> -> memref<640x64xf32, #tpu.memory_space<hbm>>
      tpu.enqueue_dma source(%arg13 : memref<640x64xf32, #tpu.memory_space<vmem>>) target(%dma_start3A_23 : memref<640x64xf32, #tpu.memory_space<hbm>>) target_semaphore(%run_scoped3A : memref<!tpu.dma_semaphore, #tpu.memory_space<semaphore_mem>>)
      %dma_wait3A = arith.constant 0 : i32
      %dma_wait3A_24 = tpu.memref_slice %arg8[%arg0, %mul3A_14, %dma_wait3A] : memref<2x10240x64xf32, #tpu.memory_space<hbm>> -> memref<1x640x64xf32, #tpu.memory_space<hbm>>
      %dma_wait3A_25 = tpu.memref_squeeze %dma_wait3A_24 : memref<1x640x64xf32, #tpu.memory_space<hbm>> -> memref<640x64xf32, #tpu.memory_space<hbm>>
      %dma_wait3A_26 = arith.constant 0 : i32
      %dma_wait3A_27 = tpu.memref_slice %arg8[%arg0, %mul3A_14, %dma_wait3A_26] : memref<2x10240x64xf32, #tpu.memory_space<hbm>> -> memref<1x640x64xf32, #tpu.memory_space<hbm>>
      %dma_wait3A_28 = tpu.memref_squeeze %dma_wait3A_27 : memref<1x640x64xf32, #tpu.memory_space<hbm>> -> memref<640x64xf32, #tpu.memory_space<hbm>>
      tpu.wait_dma2 semaphore(%run_scoped3A : memref<!tpu.dma_semaphore, #tpu.memory_space<semaphore_mem>>) src(%arg13 : memref<640x64xf32, #tpu.memory_space<vmem>>) dst(%dma_wait3A_28 : memref<640x64xf32, #tpu.memory_space<hbm>>)
      tpu.yield
    }) : () -> ()
    %mul3A_15 = arith.constant 640 : i32
    %mul3A_16 = arith.muli %arg1, %mul3A_15 : i32
    "tpu.region"() ({
      %run_scoped3A = tpu.sem_alloc : memref<!tpu.dma_semaphore, #tpu.memory_space<semaphore_mem>>
      %dma_start3A = tpu.memref_slice %arg17[%mul3A_16] : memref<10240xf32, #tpu.memory_space<vmem_shared>> -> memref<640xf32, #tpu.memory_space<vmem_shared>>
      %dma_start3A_19 = tpu.memref_slice %arg17[%mul3A_16] : memref<10240xf32, #tpu.memory_space<vmem_shared>> -> memref<640xf32, #tpu.memory_space<vmem_shared>>
      tpu.enqueue_dma source(%dma_start3A_19 : memref<640xf32, #tpu.memory_space<vmem_shared>>) target(%arg14 : memref<640xf32, #tpu.memory_space<vmem>>) target_semaphore(%run_scoped3A : memref<!tpu.dma_semaphore, #tpu.memory_space<semaphore_mem>>)
      %dma_wait3A = tpu.memref_slice %arg17[%mul3A_16] : memref<10240xf32, #tpu.memory_space<vmem_shared>> -> memref<640xf32, #tpu.memory_space<vmem_shared>>
      %dma_wait3A_20 = tpu.memref_slice %arg17[%mul3A_16] : memref<10240xf32, #tpu.memory_space<vmem_shared>> -> memref<640xf32, #tpu.memory_space<vmem_shared>>
      tpu.wait_dma2 semaphore(%run_scoped3A : memref<!tpu.dma_semaphore, #tpu.memory_space<semaphore_mem>>) src(%dma_wait3A_20 : memref<640xf32, #tpu.memory_space<vmem_shared>>) dst(%arg14 : memref<640xf32, #tpu.memory_space<vmem>>)
      tpu.yield
    }) : () -> ()
    %mul3A_17 = arith.constant 640 : i32
    %mul3A_18 = arith.muli %arg1, %mul3A_17 : i32
    "tpu.region"() ({
      %run_scoped3A = tpu.sem_alloc : memref<!tpu.dma_semaphore, #tpu.memory_space<semaphore_mem>>
      %dma_start3A = tpu.memref_slice %arg9[%arg0, %mul3A_18] : memref<2x10240xf32, #tpu.memory_space<hbm>> -> memref<1x640xf32, #tpu.memory_space<hbm>>
      %dma_start3A_19 = tpu.memref_squeeze %dma_start3A : memref<1x640xf32, #tpu.memory_space<hbm>> -> memref<640xf32, #tpu.memory_space<hbm>>
      %dma_start3A_20 = tpu.memref_slice %arg9[%arg0, %mul3A_18] : memref<2x10240xf32, #tpu.memory_space<hbm>> -> memref<1x640xf32, #tpu.memory_space<hbm>>
      %dma_start3A_21 = tpu.memref_squeeze %dma_start3A_20 : memref<1x640xf32, #tpu.memory_space<hbm>> -> memref<640xf32, #tpu.memory_space<hbm>>
      tpu.enqueue_dma source(%arg14 : memref<640xf32, #tpu.memory_space<vmem>>) target(%dma_start3A_21 : memref<640xf32, #tpu.memory_space<hbm>>) target_semaphore(%run_scoped3A : memref<!tpu.dma_semaphore, #tpu.memory_space<semaphore_mem>>)
      %dma_wait3A = tpu.memref_slice %arg9[%arg0, %mul3A_18] : memref<2x10240xf32, #tpu.memory_space<hbm>> -> memref<1x640xf32, #tpu.memory_space<hbm>>
      %dma_wait3A_22 = tpu.memref_squeeze %dma_wait3A : memref<1x640xf32, #tpu.memory_space<hbm>> -> memref<640xf32, #tpu.memory_space<hbm>>
      %dma_wait3A_23 = tpu.memref_slice %arg9[%arg0, %mul3A_18] : memref<2x10240xf32, #tpu.memory_space<hbm>> -> memref<1x640xf32, #tpu.memory_space<hbm>>
      %dma_wait3A_24 = tpu.memref_squeeze %dma_wait3A_23 : memref<1x640xf32, #tpu.memory_space<hbm>> -> memref<640xf32, #tpu.memory_space<hbm>>
      tpu.wait_dma2 semaphore(%run_scoped3A : memref<!tpu.dma_semaphore, #tpu.memory_space<semaphore_mem>>) src(%arg14 : memref<640xf32, #tpu.memory_space<vmem>>) dst(%dma_wait3A_24 : memref<640xf32, #tpu.memory_space<hbm>>)
      tpu.yield
    }) : () -> ()
    return
  }
}

#map = affine_map<(d0, d1) -> (0, 0)>
#map1 = affine_map<(d0, d1) -> (0, 0, 0)>
#map2 = affine_map<(d0, d1) -> (0)>
module attributes {stable_mosaic.version = 14 : i64} {
  func.func @body(%arg0: i32, %arg1: i32, %arg2: memref<10000x64xf32, #tpu.memory_space<hbm>>, %arg3: memref<32x79x128xi32, #tpu.memory_space<hbm>>, %arg4: memref<32x79x128xi32, #tpu.memory_space<hbm>>, %arg5: memref<640x64xf32, #tpu.memory_space<hbm>>, %arg6: memref<640xf32, #tpu.memory_space<hbm>>, %arg7: memref<128xf32, #tpu.memory_space<hbm>>, %arg8: memref<2x10240x64xf32, #tpu.memory_space<hbm>>, %arg9: memref<79x128xi32, #tpu.memory_space<vmem>>, %arg10: memref<79x128xi32, #tpu.memory_space<vmem>>, %arg11: memref<128x64xf32, #tpu.memory_space<vmem>>, %arg12: memref<640x64xf32, #tpu.memory_space<vmem>>, %arg13: memref<640xf32, #tpu.memory_space<vmem>>, %arg14: memref<128xf32, #tpu.memory_space<vmem>>, %arg15: memref<10240x64xf32, #tpu.memory_space<vmem_shared>>, %arg16: memref<10240xf32, #tpu.memory_space<vmem_shared>>) attributes {dimension_semantics = [#tpu.dimension_semantics<core_parallel>, #tpu.dimension_semantics<subcore_parallel>], iteration_bounds = array<i64: 2, 16>, scalar_prefetch = 0 : i64, scratch_operands = 8 : i64, tpu.core_type = #tpu.core_type<sc_vector_subcore>, window_params = [{transform_indices = #map}, {transform_indices = #map1}, {transform_indices = #map1}, {transform_indices = #map}, {transform_indices = #map2}, {transform_indices = #map2}, {transform_indices = #map1}]} {
    %mul3A = arith.constant 2 : i32
    %mul3A_0 = arith.muli %arg1, %mul3A : i32
    %add3A = arith.addi %mul3A_0, %arg0 : i32
    "tpu.region"() ({
      %run_scoped3A = tpu.sem_alloc : memref<!tpu.dma_semaphore, #tpu.memory_space<semaphore_mem>>
      tpu.enqueue_dma source(%arg5 : memref<640x64xf32, #tpu.memory_space<hbm>>) target(%arg12 : memref<640x64xf32, #tpu.memory_space<vmem>>) target_semaphore(%run_scoped3A : memref<!tpu.dma_semaphore, #tpu.memory_space<semaphore_mem>>)
      tpu.wait_dma2 semaphore(%run_scoped3A : memref<!tpu.dma_semaphore, #tpu.memory_space<semaphore_mem>>) src(%arg5 : memref<640x64xf32, #tpu.memory_space<hbm>>) dst(%arg12 : memref<640x64xf32, #tpu.memory_space<vmem>>)
      tpu.yield
    }) : () -> ()
    %mul3A_1 = arith.constant 640 : i32
    %mul3A_2 = arith.muli %arg1, %mul3A_1 : i32
    "tpu.region"() ({
      %run_scoped3A = tpu.sem_alloc : memref<!tpu.dma_semaphore, #tpu.memory_space<semaphore_mem>>
      %dma_start3A = arith.constant 0 : i32
      %dma_start3A_13 = tpu.memref_slice %arg15[%mul3A_2, %dma_start3A] : memref<10240x64xf32, #tpu.memory_space<vmem_shared>> -> memref<640x64xf32, #tpu.memory_space<vmem_shared>>
      %dma_start3A_14 = arith.constant 0 : i32
      %dma_start3A_15 = tpu.memref_slice %arg15[%mul3A_2, %dma_start3A_14] : memref<10240x64xf32, #tpu.memory_space<vmem_shared>> -> memref<640x64xf32, #tpu.memory_space<vmem_shared>>
      tpu.enqueue_dma source(%arg12 : memref<640x64xf32, #tpu.memory_space<vmem>>) target(%dma_start3A_15 : memref<640x64xf32, #tpu.memory_space<vmem_shared>>) target_semaphore(%run_scoped3A : memref<!tpu.dma_semaphore, #tpu.memory_space<semaphore_mem>>)
      %dma_wait3A = arith.constant 0 : i32
      %dma_wait3A_16 = tpu.memref_slice %arg15[%mul3A_2, %dma_wait3A] : memref<10240x64xf32, #tpu.memory_space<vmem_shared>> -> memref<640x64xf32, #tpu.memory_space<vmem_shared>>
      %dma_wait3A_17 = arith.constant 0 : i32
      %dma_wait3A_18 = tpu.memref_slice %arg15[%mul3A_2, %dma_wait3A_17] : memref<10240x64xf32, #tpu.memory_space<vmem_shared>> -> memref<640x64xf32, #tpu.memory_space<vmem_shared>>
      tpu.wait_dma2 semaphore(%run_scoped3A : memref<!tpu.dma_semaphore, #tpu.memory_space<semaphore_mem>>) src(%arg12 : memref<640x64xf32, #tpu.memory_space<vmem>>) dst(%dma_wait3A_18 : memref<640x64xf32, #tpu.memory_space<vmem_shared>>)
      tpu.yield
    }) : () -> ()
    "tpu.region"() ({
      %run_scoped3A = tpu.sem_alloc : memref<!tpu.dma_semaphore, #tpu.memory_space<semaphore_mem>>
      %dma_start3A = arith.constant 0 : i32
      %dma_start3A_13 = arith.constant 0 : i32
      %dma_start3A_14 = tpu.memref_slice %arg3[%add3A, %dma_start3A, %dma_start3A_13] : memref<32x79x128xi32, #tpu.memory_space<hbm>> -> memref<1x79x128xi32, #tpu.memory_space<hbm>>
      %dma_start3A_15 = tpu.memref_squeeze %dma_start3A_14 : memref<1x79x128xi32, #tpu.memory_space<hbm>> -> memref<79x128xi32, #tpu.memory_space<hbm>>
      %dma_start3A_16 = arith.constant 0 : i32
      %dma_start3A_17 = arith.constant 0 : i32
      %dma_start3A_18 = tpu.memref_slice %arg3[%add3A, %dma_start3A_16, %dma_start3A_17] : memref<32x79x128xi32, #tpu.memory_space<hbm>> -> memref<1x79x128xi32, #tpu.memory_space<hbm>>
      %dma_start3A_19 = tpu.memref_squeeze %dma_start3A_18 : memref<1x79x128xi32, #tpu.memory_space<hbm>> -> memref<79x128xi32, #tpu.memory_space<hbm>>
      tpu.enqueue_dma source(%dma_start3A_19 : memref<79x128xi32, #tpu.memory_space<hbm>>) target(%arg9 : memref<79x128xi32, #tpu.memory_space<vmem>>) target_semaphore(%run_scoped3A : memref<!tpu.dma_semaphore, #tpu.memory_space<semaphore_mem>>)
      %dma_wait3A = arith.constant 0 : i32
      %dma_wait3A_20 = arith.constant 0 : i32
      %dma_wait3A_21 = tpu.memref_slice %arg3[%add3A, %dma_wait3A, %dma_wait3A_20] : memref<32x79x128xi32, #tpu.memory_space<hbm>> -> memref<1x79x128xi32, #tpu.memory_space<hbm>>
      %dma_wait3A_22 = tpu.memref_squeeze %dma_wait3A_21 : memref<1x79x128xi32, #tpu.memory_space<hbm>> -> memref<79x128xi32, #tpu.memory_space<hbm>>
      %dma_wait3A_23 = arith.constant 0 : i32
      %dma_wait3A_24 = arith.constant 0 : i32
      %dma_wait3A_25 = tpu.memref_slice %arg3[%add3A, %dma_wait3A_23, %dma_wait3A_24] : memref<32x79x128xi32, #tpu.memory_space<hbm>> -> memref<1x79x128xi32, #tpu.memory_space<hbm>>
      %dma_wait3A_26 = tpu.memref_squeeze %dma_wait3A_25 : memref<1x79x128xi32, #tpu.memory_space<hbm>> -> memref<79x128xi32, #tpu.memory_space<hbm>>
      tpu.wait_dma2 semaphore(%run_scoped3A : memref<!tpu.dma_semaphore, #tpu.memory_space<semaphore_mem>>) src(%dma_wait3A_26 : memref<79x128xi32, #tpu.memory_space<hbm>>) dst(%arg9 : memref<79x128xi32, #tpu.memory_space<vmem>>)
      tpu.yield
    }) : () -> ()
    "tpu.region"() ({
      %run_scoped3A = tpu.sem_alloc : memref<!tpu.dma_semaphore, #tpu.memory_space<semaphore_mem>>
      %dma_start3A = arith.constant 0 : i32
      %dma_start3A_13 = arith.constant 0 : i32
      %dma_start3A_14 = tpu.memref_slice %arg4[%add3A, %dma_start3A, %dma_start3A_13] : memref<32x79x128xi32, #tpu.memory_space<hbm>> -> memref<1x79x128xi32, #tpu.memory_space<hbm>>
      %dma_start3A_15 = tpu.memref_squeeze %dma_start3A_14 : memref<1x79x128xi32, #tpu.memory_space<hbm>> -> memref<79x128xi32, #tpu.memory_space<hbm>>
      %dma_start3A_16 = arith.constant 0 : i32
      %dma_start3A_17 = arith.constant 0 : i32
      %dma_start3A_18 = tpu.memref_slice %arg4[%add3A, %dma_start3A_16, %dma_start3A_17] : memref<32x79x128xi32, #tpu.memory_space<hbm>> -> memref<1x79x128xi32, #tpu.memory_space<hbm>>
      %dma_start3A_19 = tpu.memref_squeeze %dma_start3A_18 : memref<1x79x128xi32, #tpu.memory_space<hbm>> -> memref<79x128xi32, #tpu.memory_space<hbm>>
      tpu.enqueue_dma source(%dma_start3A_19 : memref<79x128xi32, #tpu.memory_space<hbm>>) target(%arg10 : memref<79x128xi32, #tpu.memory_space<vmem>>) target_semaphore(%run_scoped3A : memref<!tpu.dma_semaphore, #tpu.memory_space<semaphore_mem>>)
      %dma_wait3A = arith.constant 0 : i32
      %dma_wait3A_20 = arith.constant 0 : i32
      %dma_wait3A_21 = tpu.memref_slice %arg4[%add3A, %dma_wait3A, %dma_wait3A_20] : memref<32x79x128xi32, #tpu.memory_space<hbm>> -> memref<1x79x128xi32, #tpu.memory_space<hbm>>
      %dma_wait3A_22 = tpu.memref_squeeze %dma_wait3A_21 : memref<1x79x128xi32, #tpu.memory_space<hbm>> -> memref<79x128xi32, #tpu.memory_space<hbm>>
      %dma_wait3A_23 = arith.constant 0 : i32
      %dma_wait3A_24 = arith.constant 0 : i32
      %dma_wait3A_25 = tpu.memref_slice %arg4[%add3A, %dma_wait3A_23, %dma_wait3A_24] : memref<32x79x128xi32, #tpu.memory_space<hbm>> -> memref<1x79x128xi32, #tpu.memory_space<hbm>>
      %dma_wait3A_26 = tpu.memref_squeeze %dma_wait3A_25 : memref<1x79x128xi32, #tpu.memory_space<hbm>> -> memref<79x128xi32, #tpu.memory_space<hbm>>
      tpu.wait_dma2 semaphore(%run_scoped3A : memref<!tpu.dma_semaphore, #tpu.memory_space<semaphore_mem>>) src(%dma_wait3A_26 : memref<79x128xi32, #tpu.memory_space<hbm>>) dst(%arg10 : memref<79x128xi32, #tpu.memory_space<vmem>>)
      tpu.yield
    }) : () -> ()
    %barrier3A = arith.constant 0 : index
    tpu.barrier barrier_id(%barrier3A)
    %scan3A = arith.constant 0 : i32
    %scan3A_3 = arith.constant 0 : i32
    %scan3A_4 = arith.constant 79 : i32
    %scan3A_5 = arith.addi %scan3A_3, %scan3A_4 : i32
    %scan3A_6 = arith.constant 1 : i32
    scf.for %scan3A_13 = %scan3A_3 to %scan3A_5 step %scan3A_6  : i32 {
      "tpu.region"() ({
        %run_scoped3A = tpu.sem_alloc : memref<!tpu.dma_semaphore, #tpu.memory_space<semaphore_mem>>
        %dma_start3A = arith.constant 0 : i32
        %dma_start3A_14 = tpu.memref_slice %arg9[%scan3A_13, %dma_start3A] : memref<79x128xi32, #tpu.memory_space<vmem>> -> memref<1x128xi32, #tpu.memory_space<vmem>>
        %dma_start3A_15 = tpu.memref_squeeze %dma_start3A_14 : memref<1x128xi32, #tpu.memory_space<vmem>> -> memref<128xi32, #tpu.memory_space<vmem>>
        %dma_start3A_16 = arith.constant 0 : i32
        %dma_start3A_17 = arith.constant 0 : i32
        %dma_start3A_18 = tpu.memref_slice %arg2[%dma_start3A_16, %dma_start3A_17] : memref<10000x64xf32, #tpu.memory_space<hbm>> -> memref<10000x64xf32, #tpu.memory_space<hbm>>
        tpu.enqueue_indirect_dma source(%dma_start3A_18 : memref<10000x64xf32, #tpu.memory_space<hbm>>) target(%arg11 : memref<128x64xf32, #tpu.memory_space<vmem>>) offsets(%dma_start3A_15 : memref<128xi32, #tpu.memory_space<vmem>>) semaphore(%run_scoped3A : memref<!tpu.dma_semaphore, #tpu.memory_space<semaphore_mem>>)
        %dma_wait3A = arith.constant 0 : i32
        %dma_wait3A_19 = tpu.memref_slice %arg9[%scan3A_13, %dma_wait3A] : memref<79x128xi32, #tpu.memory_space<vmem>> -> memref<1x128xi32, #tpu.memory_space<vmem>>
        %dma_wait3A_20 = tpu.memref_squeeze %dma_wait3A_19 : memref<1x128xi32, #tpu.memory_space<vmem>> -> memref<128xi32, #tpu.memory_space<vmem>>
        %dma_wait3A_21 = arith.constant 0 : i32
        %dma_wait3A_22 = arith.constant 0 : i32
        %dma_wait3A_23 = tpu.memref_slice %arg2[%dma_wait3A_21, %dma_wait3A_22] : memref<10000x64xf32, #tpu.memory_space<hbm>> -> memref<10000x64xf32, #tpu.memory_space<hbm>>
        tpu.wait_indirect_dma semaphore(%run_scoped3A : memref<!tpu.dma_semaphore, #tpu.memory_space<semaphore_mem>>) src(%dma_wait3A_23 : memref<10000x64xf32, #tpu.memory_space<hbm>>) dst(%arg11 : memref<128x64xf32, #tpu.memory_space<vmem>>)
        tpu.yield
      }) : () -> ()
      "tpu.region"() ({
        %run_scoped3A = tpu.sem_alloc : memref<!tpu.dma_semaphore, #tpu.memory_space<semaphore_mem>>
        %dma_start3A = arith.constant 0 : i32
        %dma_start3A_14 = tpu.memref_slice %arg10[%scan3A_13, %dma_start3A] : memref<79x128xi32, #tpu.memory_space<vmem>> -> memref<1x128xi32, #tpu.memory_space<vmem>>
        %dma_start3A_15 = tpu.memref_squeeze %dma_start3A_14 : memref<1x128xi32, #tpu.memory_space<vmem>> -> memref<128xi32, #tpu.memory_space<vmem>>
        %dma_start3A_16 = arith.constant 0 : i32
        %dma_start3A_17 = arith.constant 0 : i32
        %dma_start3A_18 = tpu.memref_slice %arg15[%dma_start3A_16, %dma_start3A_17] : memref<10240x64xf32, #tpu.memory_space<vmem_shared>> -> memref<10240x64xf32, #tpu.memory_space<vmem_shared>>
        tpu.enqueue_indirect_dma source(%arg11 : memref<128x64xf32, #tpu.memory_space<vmem>>) target(%dma_start3A_18 : memref<10240x64xf32, #tpu.memory_space<vmem_shared>>) offsets(%dma_start3A_15 : memref<128xi32, #tpu.memory_space<vmem>>) semaphore(%run_scoped3A : memref<!tpu.dma_semaphore, #tpu.memory_space<semaphore_mem>>) {add = true}
        %dma_wait3A = arith.constant 0 : i32
        %dma_wait3A_19 = tpu.memref_slice %arg10[%scan3A_13, %dma_wait3A] : memref<79x128xi32, #tpu.memory_space<vmem>> -> memref<1x128xi32, #tpu.memory_space<vmem>>
        %dma_wait3A_20 = tpu.memref_squeeze %dma_wait3A_19 : memref<1x128xi32, #tpu.memory_space<vmem>> -> memref<128xi32, #tpu.memory_space<vmem>>
        %dma_wait3A_21 = arith.constant 0 : i32
        %dma_wait3A_22 = arith.constant 0 : i32
        %dma_wait3A_23 = tpu.memref_slice %arg15[%dma_wait3A_21, %dma_wait3A_22] : memref<10240x64xf32, #tpu.memory_space<vmem_shared>> -> memref<10240x64xf32, #tpu.memory_space<vmem_shared>>
        tpu.wait_indirect_dma semaphore(%run_scoped3A : memref<!tpu.dma_semaphore, #tpu.memory_space<semaphore_mem>>) src(%arg11 : memref<128x64xf32, #tpu.memory_space<vmem>>) dst(%dma_wait3A_23 : memref<10240x64xf32, #tpu.memory_space<vmem_shared>>)
        tpu.yield
      }) : () -> ()
    }
    %scan3A_7 = arith.constant 79 : i32
    %barrier3A_8 = arith.constant 0 : index
    tpu.barrier barrier_id(%barrier3A_8)
    %mul3A_9 = arith.constant 640 : i32
    %mul3A_10 = arith.muli %arg1, %mul3A_9 : i32
    "tpu.region"() ({
      %run_scoped3A = tpu.sem_alloc : memref<!tpu.dma_semaphore, #tpu.memory_space<semaphore_mem>>
      %dma_start3A = arith.constant 0 : i32
      %dma_start3A_13 = tpu.memref_slice %arg15[%mul3A_10, %dma_start3A] : memref<10240x64xf32, #tpu.memory_space<vmem_shared>> -> memref<640x64xf32, #tpu.memory_space<vmem_shared>>
      %dma_start3A_14 = arith.constant 0 : i32
      %dma_start3A_15 = tpu.memref_slice %arg15[%mul3A_10, %dma_start3A_14] : memref<10240x64xf32, #tpu.memory_space<vmem_shared>> -> memref<640x64xf32, #tpu.memory_space<vmem_shared>>
      tpu.enqueue_dma source(%dma_start3A_15 : memref<640x64xf32, #tpu.memory_space<vmem_shared>>) target(%arg12 : memref<640x64xf32, #tpu.memory_space<vmem>>) target_semaphore(%run_scoped3A : memref<!tpu.dma_semaphore, #tpu.memory_space<semaphore_mem>>)
      %dma_wait3A = arith.constant 0 : i32
      %dma_wait3A_16 = tpu.memref_slice %arg15[%mul3A_10, %dma_wait3A] : memref<10240x64xf32, #tpu.memory_space<vmem_shared>> -> memref<640x64xf32, #tpu.memory_space<vmem_shared>>
      %dma_wait3A_17 = arith.constant 0 : i32
      %dma_wait3A_18 = tpu.memref_slice %arg15[%mul3A_10, %dma_wait3A_17] : memref<10240x64xf32, #tpu.memory_space<vmem_shared>> -> memref<640x64xf32, #tpu.memory_space<vmem_shared>>
      tpu.wait_dma2 semaphore(%run_scoped3A : memref<!tpu.dma_semaphore, #tpu.memory_space<semaphore_mem>>) src(%dma_wait3A_18 : memref<640x64xf32, #tpu.memory_space<vmem_shared>>) dst(%arg12 : memref<640x64xf32, #tpu.memory_space<vmem>>)
      tpu.yield
    }) : () -> ()
    %mul3A_11 = arith.constant 640 : i32
    %mul3A_12 = arith.muli %arg1, %mul3A_11 : i32
    "tpu.region"() ({
      %run_scoped3A = tpu.sem_alloc : memref<!tpu.dma_semaphore, #tpu.memory_space<semaphore_mem>>
      %dma_start3A = arith.constant 0 : i32
      %dma_start3A_13 = tpu.memref_slice %arg8[%arg0, %mul3A_12, %dma_start3A] : memref<2x10240x64xf32, #tpu.memory_space<hbm>> -> memref<1x640x64xf32, #tpu.memory_space<hbm>>
      %dma_start3A_14 = tpu.memref_squeeze %dma_start3A_13 : memref<1x640x64xf32, #tpu.memory_space<hbm>> -> memref<640x64xf32, #tpu.memory_space<hbm>>
      %dma_start3A_15 = arith.constant 0 : i32
      %dma_start3A_16 = tpu.memref_slice %arg8[%arg0, %mul3A_12, %dma_start3A_15] : memref<2x10240x64xf32, #tpu.memory_space<hbm>> -> memref<1x640x64xf32, #tpu.memory_space<hbm>>
      %dma_start3A_17 = tpu.memref_squeeze %dma_start3A_16 : memref<1x640x64xf32, #tpu.memory_space<hbm>> -> memref<640x64xf32, #tpu.memory_space<hbm>>
      tpu.enqueue_dma source(%arg12 : memref<640x64xf32, #tpu.memory_space<vmem>>) target(%dma_start3A_17 : memref<640x64xf32, #tpu.memory_space<hbm>>) target_semaphore(%run_scoped3A : memref<!tpu.dma_semaphore, #tpu.memory_space<semaphore_mem>>)
      %dma_wait3A = arith.constant 0 : i32
      %dma_wait3A_18 = tpu.memref_slice %arg8[%arg0, %mul3A_12, %dma_wait3A] : memref<2x10240x64xf32, #tpu.memory_space<hbm>> -> memref<1x640x64xf32, #tpu.memory_space<hbm>>
      %dma_wait3A_19 = tpu.memref_squeeze %dma_wait3A_18 : memref<1x640x64xf32, #tpu.memory_space<hbm>> -> memref<640x64xf32, #tpu.memory_space<hbm>>
      %dma_wait3A_20 = arith.constant 0 : i32
      %dma_wait3A_21 = tpu.memref_slice %arg8[%arg0, %mul3A_12, %dma_wait3A_20] : memref<2x10240x64xf32, #tpu.memory_space<hbm>> -> memref<1x640x64xf32, #tpu.memory_space<hbm>>
      %dma_wait3A_22 = tpu.memref_squeeze %dma_wait3A_21 : memref<1x640x64xf32, #tpu.memory_space<hbm>> -> memref<640x64xf32, #tpu.memory_space<hbm>>
      tpu.wait_dma2 semaphore(%run_scoped3A : memref<!tpu.dma_semaphore, #tpu.memory_space<semaphore_mem>>) src(%arg12 : memref<640x64xf32, #tpu.memory_space<vmem>>) dst(%dma_wait3A_22 : memref<640x64xf32, #tpu.memory_space<hbm>>)
      tpu.yield
    }) : () -> ()
    return
  }
}

module attributes {stable_mosaic.version = 14 : i64} {
  func.func @_dense_a_body(%arg0: memref<10000x128xf32, #tpu.memory_space<vmem>>, %arg1: memref<128x64xf32, #tpu.memory_space<vmem>>, %arg2: memref<128x64xf32, #tpu.memory_space<vmem>>, %arg3: memref<1x64xf32, #tpu.memory_space<vmem>>, %arg4: memref<10000x64xf32, #tpu.memory_space<vmem>>, %arg5: memref<10000x64xf32, #tpu.memory_space<vmem>>) attributes {dimension_semantics = [], scalar_prefetch = 0 : i64, scratch_operands = 0 : i64, tpu.core_type = #tpu.core_type<tc>} {
    %get3A = arith.constant 0 : index
    %get3A_0 = arith.constant 0 : index
    %get3A_1 = vector.load %arg0[%get3A, %get3A_0] : memref<10000x128xf32, #tpu.memory_space<vmem>>, vector<10000x128xf32>
    %get3A_2 = arith.constant 0 : index
    %get3A_3 = arith.constant 0 : index
    %get3A_4 = vector.load %arg1[%get3A_2, %get3A_3] : memref<128x64xf32, #tpu.memory_space<vmem>>, vector<128x64xf32>
    %dot_general3A = arith.constant dense<0.000000e+00> : vector<10000x64xf32>
    %dot_general3A_5 = tpu.matmul %get3A_1, %get3A_4, %dot_general3A {dimension_numbers = #tpu.dot_dimension_numbers<[1], [0], [0], [1], [0, 0, 1, 1], [], []>, transpose_lhs_hint = false} : vector<10000x128xf32>, vector<128x64xf32>, vector<10000x64xf32> -> vector<10000x64xf32>
    %swap3A = arith.constant 0 : index
    %swap3A_6 = arith.constant 0 : index
    %swap3A_7 = vector.load %arg4[%swap3A, %swap3A_6] : memref<10000x64xf32, #tpu.memory_space<vmem>>, vector<10000x64xf32>
    tpu.vector_store %arg4[%swap3A, %swap3A_6], %dot_general3A_5 {strides = array<i32>} : memref<10000x64xf32, #tpu.memory_space<vmem>>, vector<10000x64xf32>,
    %get3A_8 = arith.constant 0 : index
    %get3A_9 = arith.constant 0 : index
    %get3A_10 = vector.load %arg2[%get3A_8, %get3A_9] : memref<128x64xf32, #tpu.memory_space<vmem>>, vector<128x64xf32>
    %dot_general3A_11 = arith.constant dense<0.000000e+00> : vector<10000x64xf32>
    %dot_general3A_12 = tpu.matmul %get3A_1, %get3A_10, %dot_general3A_11 {dimension_numbers = #tpu.dot_dimension_numbers<[1], [0], [0], [1], [0, 0, 1, 1], [], []>, transpose_lhs_hint = false} : vector<10000x128xf32>, vector<128x64xf32>, vector<10000x64xf32> -> vector<10000x64xf32>
    %get3A_13 = arith.constant 0 : index
    %get3A_14 = arith.constant 0 : index
    %get3A_15 = vector.load %arg3[%get3A_13, %get3A_14] : memref<1x64xf32, #tpu.memory_space<vmem>>, vector<1x64xf32>
    %add3A = vector.broadcast %get3A_15 : vector<1x64xf32> to vector<10000x64xf32>
    %add3A_16 = arith.addf %dot_general3A_12, %add3A : vector<10000x64xf32>
    %swap3A_17 = arith.constant 0 : index
    %swap3A_18 = arith.constant 0 : index
    %swap3A_19 = vector.load %arg5[%swap3A_17, %swap3A_18] : memref<10000x64xf32, #tpu.memory_space<vmem>>, vector<10000x64xf32>
    tpu.vector_store %arg5[%swap3A_17, %swap3A_18], %add3A_16 {strides = array<i32>} : memref<10000x64xf32, #tpu.memory_space<vmem>>, vector<10000x64xf32>,
    return
  }
}

module attributes {stable_mosaic.version = 14 : i64} {
  func.func @_dense_b_body(%arg0: memref<10000x64xf32, #tpu.memory_space<vmem>>, %arg1: memref<10000x64xf32, #tpu.memory_space<vmem>>, %arg2: memref<10000x1xf32, #tpu.memory_space<vmem>>, %arg3: memref<10000x1xf32, #tpu.memory_space<vmem>>, %arg4: memref<10000x64xf32, #tpu.memory_space<vmem>>, %arg5: memref<10000x64xf32, #tpu.memory_space<vmem>>, %arg6: memref<10000x1xf32, #tpu.memory_space<vmem>>) attributes {dimension_semantics = [], scalar_prefetch = 0 : i64, scratch_operands = 0 : i64, tpu.core_type = #tpu.core_type<tc>} {
    %get3A = arith.constant 0 : index
    %get3A_0 = arith.constant 0 : index
    %get3A_1 = vector.load %arg2[%get3A, %get3A_0] : memref<10000x1xf32, #tpu.memory_space<vmem>>, vector<10000x1xf32>
    %get3A_2 = arith.constant 0 : index
    %get3A_3 = arith.constant 0 : index
    %get3A_4 = vector.load %arg3[%get3A_2, %get3A_3] : memref<10000x1xf32, #tpu.memory_space<vmem>>, vector<10000x1xf32>
    %add3A = arith.addf %get3A_1, %get3A_4 : vector<10000x1xf32>
    %max3A = arith.constant 1.000000e+00 : f32
    %max3A_5 = vector.broadcast %max3A : f32 to vector<10000x1xf32>
    %max3A_6 = arith.maximumf %add3A, %max3A_5 : vector<10000x1xf32>
    %div3A = arith.constant 1.000000e+00 : f32
    %div3A_7 = vector.broadcast %div3A : f32 to vector<10000x1xf32>
    %div3A_8 = arith.divf %div3A_7, %max3A_6 : vector<10000x1xf32>
    %swap3A = arith.constant 0 : index
    %swap3A_9 = arith.constant 0 : index
    %swap3A_10 = vector.load %arg6[%swap3A, %swap3A_9] : memref<10000x1xf32, #tpu.memory_space<vmem>>, vector<10000x1xf32>
    tpu.vector_store %arg6[%swap3A, %swap3A_9], %div3A_8 {strides = array<i32>} : memref<10000x1xf32, #tpu.memory_space<vmem>>, vector<10000x1xf32>,
    %get3A_11 = arith.constant 0 : index
    %get3A_12 = arith.constant 0 : index
    %get3A_13 = vector.load %arg0[%get3A_11, %get3A_12] : memref<10000x64xf32, #tpu.memory_space<vmem>>, vector<10000x64xf32>
    %get3A_14 = arith.constant 0 : index
    %get3A_15 = arith.constant 0 : index
    %get3A_16 = vector.load %arg1[%get3A_14, %get3A_15] : memref<10000x64xf32, #tpu.memory_space<vmem>>, vector<10000x64xf32>
    %add3A_17 = arith.addf %get3A_13, %get3A_16 : vector<10000x64xf32>
    %mul3A = vector.broadcast %div3A_8 : vector<10000x1xf32> to vector<10000x64xf32>
    %mul3A_18 = arith.mulf %add3A_17, %mul3A : vector<10000x64xf32>
    %get3A_19 = arith.constant 0 : index
    %get3A_20 = arith.constant 0 : index
    %get3A_21 = vector.load %arg4[%get3A_19, %get3A_20] : memref<10000x64xf32, #tpu.memory_space<vmem>>, vector<10000x64xf32>
    %add3A_22 = arith.addf %mul3A_18, %get3A_21 : vector<10000x64xf32>
    %max3A_23 = arith.constant 0.000000e+00 : f32
    %max3A_24 = vector.broadcast %max3A_23 : f32 to vector<10000x64xf32>
    %max3A_25 = arith.maximumf %add3A_22, %max3A_24 : vector<10000x64xf32>
    %swap3A_26 = arith.constant 0 : index
    %swap3A_27 = arith.constant 0 : index
    %swap3A_28 = vector.load %arg5[%swap3A_26, %swap3A_27] : memref<10000x64xf32, #tpu.memory_space<vmem>>, vector<10000x64xf32>
    tpu.vector_store %arg5[%swap3A_26, %swap3A_27], %max3A_25 {strides = array<i32>} : memref<10000x64xf32, #tpu.memory_space<vmem>>, vector<10000x64xf32>,
    return
  }
}

module attributes {stable_mosaic.version = 14 : i64} {
  func.func @_dense_c_body(%arg0: memref<10000x64xf32, #tpu.memory_space<vmem>>, %arg1: memref<10000x64xf32, #tpu.memory_space<vmem>>, %arg2: memref<10000x1xf32, #tpu.memory_space<vmem>>, %arg3: memref<10000x64xf32, #tpu.memory_space<vmem>>, %arg4: memref<64x128xf32, #tpu.memory_space<vmem>>, %arg5: memref<64x128xf32, #tpu.memory_space<vmem>>, %arg6: memref<1x128xf32, #tpu.memory_space<vmem>>, %arg7: memref<10000x128xf32, #tpu.memory_space<vmem>>) attributes {dimension_semantics = [], scalar_prefetch = 0 : i64, scratch_operands = 0 : i64, tpu.core_type = #tpu.core_type<tc>} {
    %get3A = arith.constant 0 : index
    %get3A_0 = arith.constant 0 : index
    %get3A_1 = vector.load %arg0[%get3A, %get3A_0] : memref<10000x64xf32, #tpu.memory_space<vmem>>, vector<10000x64xf32>
    %get3A_2 = arith.constant 0 : index
    %get3A_3 = arith.constant 0 : index
    %get3A_4 = vector.load %arg1[%get3A_2, %get3A_3] : memref<10000x64xf32, #tpu.memory_space<vmem>>, vector<10000x64xf32>
    %add3A = arith.addf %get3A_1, %get3A_4 : vector<10000x64xf32>
    %get3A_5 = arith.constant 0 : index
    %get3A_6 = arith.constant 0 : index
    %get3A_7 = vector.load %arg2[%get3A_5, %get3A_6] : memref<10000x1xf32, #tpu.memory_space<vmem>>, vector<10000x1xf32>
    %mul3A = vector.broadcast %get3A_7 : vector<10000x1xf32> to vector<10000x64xf32>
    %mul3A_8 = arith.mulf %add3A, %mul3A : vector<10000x64xf32>
    %get3A_9 = arith.constant 0 : index
    %get3A_10 = arith.constant 0 : index
    %get3A_11 = vector.load %arg4[%get3A_9, %get3A_10] : memref<64x128xf32, #tpu.memory_space<vmem>>, vector<64x128xf32>
    %dot_general3A = arith.constant dense<0.000000e+00> : vector<10000x128xf32>
    %dot_general3A_12 = tpu.matmul %mul3A_8, %get3A_11, %dot_general3A {dimension_numbers = #tpu.dot_dimension_numbers<[1], [0], [0], [1], [0, 0, 1, 1], [], []>, transpose_lhs_hint = false} : vector<10000x64xf32>, vector<64x128xf32>, vector<10000x128xf32> -> vector<10000x128xf32>
    %get3A_13 = arith.constant 0 : index
    %get3A_14 = arith.constant 0 : index
    %get3A_15 = vector.load %arg3[%get3A_13, %get3A_14] : memref<10000x64xf32, #tpu.memory_space<vmem>>, vector<10000x64xf32>
    %get3A_16 = arith.constant 0 : index
    %get3A_17 = arith.constant 0 : index
    %get3A_18 = vector.load %arg5[%get3A_16, %get3A_17] : memref<64x128xf32, #tpu.memory_space<vmem>>, vector<64x128xf32>
    %dot_general3A_19 = arith.constant dense<0.000000e+00> : vector<10000x128xf32>
    %dot_general3A_20 = tpu.matmul %get3A_15, %get3A_18, %dot_general3A_19 {dimension_numbers = #tpu.dot_dimension_numbers<[1], [0], [0], [1], [0, 0, 1, 1], [], []>, transpose_lhs_hint = false} : vector<10000x64xf32>, vector<64x128xf32>, vector<10000x128xf32> -> vector<10000x128xf32>
    %add3A_21 = arith.addf %dot_general3A_12, %dot_general3A_20 : vector<10000x128xf32>
    %get3A_22 = arith.constant 0 : index
    %get3A_23 = arith.constant 0 : index
    %get3A_24 = vector.load %arg6[%get3A_22, %get3A_23] : memref<1x128xf32, #tpu.memory_space<vmem>>, vector<1x128xf32>
    %add3A_25 = vector.broadcast %get3A_24 : vector<1x128xf32> to vector<10000x128xf32>
    %add3A_26 = arith.addf %add3A_21, %add3A_25 : vector<10000x128xf32>
    %max3A = arith.constant 0.000000e+00 : f32
    %max3A_27 = vector.broadcast %max3A : f32 to vector<10000x128xf32>
    %max3A_28 = arith.maximumf %add3A_26, %max3A_27 : vector<10000x128xf32>
    %reduce_max3A = arith.constant dense<0xFF800000> : vector<10000xf32>
    %reduce_max3A_29 = vector.multi_reduction <maximumf>, %max3A_28, %reduce_max3A [1] : vector<10000x128xf32> to vector<10000xf32>
    %broadcast_in_dim3A = vector.shape_cast %reduce_max3A_29 : vector<10000xf32> to vector<10000x1xf32>
    %sub3A = vector.broadcast %broadcast_in_dim3A : vector<10000x1xf32> to vector<10000x128xf32>
    %sub3A_30 = arith.subf %max3A_28, %sub3A : vector<10000x128xf32>
    %exp3A = math.exp %sub3A_30 : vector<10000x128xf32>
    %reduce_sum3A = arith.constant dense<0.000000e+00> : vector<10000xf32>
    %reduce_sum3A_31 = vector.multi_reduction <add>, %exp3A, %reduce_sum3A [1] : vector<10000x128xf32> to vector<10000xf32>
    %broadcast_in_dim3A_32 = vector.shape_cast %reduce_sum3A_31 : vector<10000xf32> to vector<10000x1xf32>
    %log3A = math.log %broadcast_in_dim3A_32 : vector<10000x1xf32>
    %sub3A_33 = vector.broadcast %log3A : vector<10000x1xf32> to vector<10000x128xf32>
    %sub3A_34 = arith.subf %sub3A_30, %sub3A_33 : vector<10000x128xf32>
    %swap3A = arith.constant 0 : index
    %swap3A_35 = arith.constant 0 : index
    %swap3A_36 = vector.load %arg7[%swap3A, %swap3A_35] : memref<10000x128xf32, #tpu.memory_space<vmem>>, vector<10000x128xf32>
    tpu.vector_store %arg7[%swap3A, %swap3A_35], %sub3A_34 {strides = array<i32>} : memref<10000x128xf32, #tpu.memory_space<vmem>>, vector<10000x128xf32>,
    return
  }
}

</mosaic_0001>

<sc_bundles>
// kernel: kernel.10.cloned.1.call-start
scs
__scs_entry_jumppad:
0x0: {  	(pc) =	sbr.rel $0x88, $3  }
0x1: {  	(tag) =	ssettag $0x0;
	lr =	simm.s32 $0x1  }
0x2: {  	[smem:$0x3F99] =	sst lr;
	_ =	strace $0xD0000000  }
0x3: {  	_ = 	snop  }
0x4: {  	_ = 	snop  }
0x5: {  	_ = 	snop  }
0x6: {  	_ = 	snop  }
0x7: {  	_ = 	snop  }
__scs_overlays_trampoline_lowered:
0x8: {  	[smem:$0x3FA8] =	sst s0  }
0x9: {  	[smem:$0x3FA9] =	sst s1  }
0xa: {  	[smem:$0x3FAA] =	sst s2  }
0xb: {  	[smem:$0x3FAB] =	sst s3  }
0xc: {  	[smem:$0x3FAC] =	sst s4  }
0xd: {  	[smem:$0x3FAD] =	sst s5  }
0xe: {  	[smem:$0x3FAE] =	sst s6  }
0xf: {  	[smem:$0x3FAF] =	sst s7  }
0x10: {  	[smem:$0x3FB0] =	sst s8  }
0x11: {  	[smem:$0x3FB1] =	sst s9;
	s0 =	simm.s32 @!p0 $0x0  }
0x12: {  	s1 =	sld [smem:$0x3F97];
	s0 =	simm.s32 @p0 $0x1  }
0x13: {  	[smem:$0x3FB2] =	sst s0;
	s0 =	simm.s32 @!p1 $0x0  }
0x14: {  	s2 =	sld [smem:$0x3F96];
	s0 =	simm.s32 @p1 $0x1  }
0x15: {  	[smem:$0x3FB3] =	sst s0;
	s0 =	simm.s32 @!p2 $0x0  }
0x16: {  	s3 =	sld [smem:$0x3FDB];
	s0 =	simm.s32 @p2 $0x1  }
0x17: {  	s4 =	simm.s32 $0x1BF5;
	[smem:$0x3FB5] =	sst s0  }
0x18: {  	s0 =	sld [smem:$0x3F98];
	_ =	swait.ge [sflag:s4], $0x0  }
0x19: {  	s7 =	sld [smem:$0x3F99]  }
0x1a: {  	s8 =	sadd.s32 $0xFFFFE003, lr  }
0x1b: {  	s9 =	sadd.s32 $0xFFFFFEF7, lr;
	s5 =	simm.s32 $0xFFFFFFFF;
	p2 =	slt.u32 s8, $0xFFFFF086  }
0x1c: {  	p1 =	slt.u32 s9, $0xF7A;
	s5 =	simm.s32 @!p2 $0x0  }
0x1d: {  	s5 =	simm.s32 @p1 $0x1;
	p0 =	seq.s32 s7, s2  }
0x1e: {  	s7 =	smul.u32 @!p0 $0xF7A, s2;
	p2 =	seq.s32 @!p0 s5, $0x0  }
0x1f: {  	s9 =	smul.u32 $0xF7A, s1;
	s8 =	simm.s32 @!p0 $0x1BF5;
	p2 =	por !p2, p0  }
0x20: {  	[sflag:s8] =	ssyncset.s32 @!p0 $0xFFFFF086;
	s6 =	sadd.s32 @!p0 s3, s7;
	s7 =	simm.s32 @!p0 $0x108  }
0x21: {  	s3 =	sadd.s32 s3, s9;
	s6 =	sadd.s32 @!p0 $0x88, s6;
	s7 =	simm.s32 @p2 $0x1082  }
0x22: {  	[simem:s7], [sflag:s8] =	dma.local @!p0 [hbm:s6], $0xF7A  }
0x23: {  	s9 =	sor.u32 $0xD0000000, s2;
	s6 =	simm.s32 $0x108;
	_ =	swait.ge @!p0 [sflag:s8], $0x0  }
0x24: {  	s3 =	sadd.s32 $0x88, s3;
	s6 =	simm.s32 @!p1 $0x1082;
	[sflag:s4] =	ssyncset.s32 $0xFFFFF086  }
0x25: {  	[simem:s6], [sflag:s4] =	dma.local [hbm:s3], $0xF7A  }
0x26: {  	[smem:$0x3F99] =	sst s1;
	(tag) =	ssettag s2;
	_ =	strace s9  }
0x27: {  	s1 =	sld [smem:$0x3FA9]  }
0x28: {  	s2 =	sld [smem:$0x3FAA]  }
0x29: {  	s4 =	sld [smem:$0x3FAC]  }
0x2a: {  	p0 =	seq.s32 s5, $0x0;
	s5 =	sld [smem:$0x3FAD]  }
0x2b: {  	s6 =	sld [smem:$0x3FAE]  }
0x2c: {  	s7 =	sld [smem:$0x3FAF]  }
0x2d: {  	s3 =	simm.s32 $0x108;
	s8 =	sld [smem:$0x3FB0]  }
0x2e: {  	s3 =	simm.s32 @!p0 $0x1082;
	s9 =	sld [smem:$0x3FB1]  }
0x2f: {  	lr =	sadd.s32 s0, s3;
	s0 =	sld [smem:$0x3FA8]  }
0x30: {  	s3 =	sld [smem:$0x3FAB]  }
0x31: {  	[smem:$0x3FB4] =	sst s10  }
0x32: {  	s10 =	sld [smem:$0x3FB2];
	_ =	sdelay $0x3  }
0x33: {  	p0 =	seq.s32 s10, $0x1;
	s10 =	sld [smem:$0x3FB4];
	_ =	sdelay $0x3  }
0x34: {  	[smem:$0x3FB4] =	sst s10  }
0x35: {  	s10 =	sld [smem:$0x3FB3];
	_ =	sdelay $0x3  }
0x36: {  	p1 =	seq.s32 s10, $0x1;
	s10 =	sld [smem:$0x3FB4];
	_ =	sdelay $0x3  }
0x37: {  	[smem:$0x3FB4] =	sst s10  }
0x38: {  	s10 =	sld [smem:$0x3FB5]  }
0x39: {  	_ = 	snop;
	(pc) =	sbr.ind lr, $3  }
0x3a: {  	_ = 	snop  }
0x3b: {  	_ = 	snop  }
0x3c: {  	p2 =	seq.s32 s10, $0x1;
	s10 =	sld [smem:$0x3FB4]  }
0x3d: {  	_ =	shalt  }
0x3e: {  	_ =	shalt  }
0x3f: {  	_ =	shalt  }
0x40: {  	_ =	shalt  }
0x41: {  	_ =	shalt  }
0x42: {  	_ =	shalt  }
0x43: {  	_ =	shalt  }
0x44: {  	_ =	shalt  }
0x45: {  	_ =	shalt  }
0x46: {  	_ =	shalt  }
0x47: {  	_ =	shalt  }
0x48: {  	_ =	shalt  }
0x49: {  	_ =	shalt  }
0x4a: {  	_ =	shalt  }
0x4b: {  	_ =	shalt  }
0x4c: {  	_ =	shalt  }
0x4d: {  	_ =	shalt  }
0x4e: {  	_ =	shalt  }
0x4f: {  	_ =	shalt  }
0x50: {  	_ =	shalt  }
0x51: {  	_ =	shalt  }
0x52: {  	_ =	shalt  }
0x53: {  	_ =	shalt  }
0x54: {  	_ =	shalt  }
0x55: {  	_ =	shalt  }
0x56: {  	_ =	shalt  }
0x57: {  	_ =	shalt  }
0x58: {  	_ =	shalt  }
0x59: {  	_ =	shalt  }
0x5a: {  	_ =	shalt  }
0x5b: {  	_ =	shalt  }
0x5c: {  	_ =	shalt  }
0x5d: {  	_ =	shalt  }
0x5e: {  	_ =	shalt  }
0x5f: {  	_ =	shalt  }
0x60: {  	_ =	shalt  }
0x61: {  	_ =	shalt  }
0x62: {  	_ =	shalt  }
0x63: {  	_ =	shalt  }
0x64: {  	_ =	shalt  }
0x65: {  	_ =	shalt  }
0x66: {  	_ =	shalt  }
0x67: {  	_ =	shalt  }
0x68: {  	_ =	shalt  }
0x69: {  	_ =	shalt  }
0x6a: {  	_ =	shalt  }
0x6b: {  	_ =	shalt  }
0x6c: {  	_ =	shalt  }
0x6d: {  	_ =	shalt  }
0x6e: {  	_ =	shalt  }
0x6f: {  	_ =	shalt  }
0x70: {  	_ =	shalt  }
0x71: {  	_ =	shalt  }
0x72: {  	_ =	shalt  }
0x73: {  	_ =	shalt  }
0x74: {  	_ =	shalt  }
0x75: {  	_ =	shalt  }
0x76: {  	_ =	shalt  }
0x77: {  	_ =	shalt  }
0x78: {  	_ =	shalt  }
0x79: {  	_ =	shalt  }
0x7a: {  	_ =	shalt  }
0x7b: {  	_ =	shalt  }
0x7c: {  	_ =	shalt  }
0x7d: {  	_ =	shalt  }
0x7e: {  	_ =	shalt  }
0x7f: {  	_ =	shalt  }
0x80: {  	_ =	shalt  }
0x81: {  	_ =	shalt  }
0x82: {  	_ =	shalt  }
0x83: {  	_ =	shalt  }
0x84: {  	_ =	shalt  }
0x85: {  	_ =	shalt  }
0x86: {  	_ =	shalt  }
0x87: {  	_ =	shalt  }
.Lfunc_end0:
.L_simem_size_0:
called_computation.1_lowered:
.L_overlay_start_0:
0x88: {  	s2 =	sld [smem:$0x3FD9]  }
0x89: {  	s3 =	sld [smem:$0x3FFE];
	_ =	sdelay $0x1  }
0x8a: {  	s1 =	srdreg.scid  }
0x8b: {  	s0 =	sand.u32 $0x1, s1  }
0x8c: {  	s17 =	sshll.u32 s0, $0xA;
	s2 =	sadd.s32 s3, s2  }
0x8d: {  	s2 =	sadd.s32 s2, s17  }
0x8e: {  	[smem:$0x3FC0] =	sst s2  }
0x8f: {  	_ = 	snop  }
0x90: {  	s2 =	sld [smem:$0x3FD0];
	(tm) =	ssettm $0x1  }
0x91: {  	s18 =	sld [smem:$0x3FFB];
	_ =	sdelay $0x3  }
0x92: {  	_ =	strace s18  }
0x93: {  	s3 =	sld [smem:$0x3FFC];
	_ =	sdelay $0x3  }
0x94: {  	_ =	strace s3  }
0x95: {  	s3 =	sld [smem:$0x3FFD];
	_ =	sdelay $0x3  }
0x96: {  	_ =	strace s3  }
0x97: {  	_ =	strace $0x8FFFFFFF  }
0x98: {  	s19 =	sld [smem:$0x3FDB];
	_ =	sdelay $0x1  }
0x99: {  	s4 =	simm.s32 $_scs_section_size  }
0x9a: {  	s5 =	simm.s32 $_size__tile_overlayer_lowered;
	s6 =	simm.s32 $_tile_overlayer_lowered  }
0x9b: {  	s22 =	simm.s32 $0x1BFF;
	s21 =	sshll.u32 s6, $0x1;
	s3 =	sadd.s32 s4, s19  }
0x9c: {  	s7 =	simm.s32 $0x0;
	s20 =	sshll.u32 s5, $0x1;
	s5 =	sadd.s32 s21, s3  }
0x9d: {  	[timem:s7], [sflag:s22] =	dma.local [hbm:s5], s20  }
0x9e: {  	_ =	swait.ge [sflag:s22], s20  }
0x9f: {  	s4 =	ssub.s32 $0x0, s20;
	[sflag:s22] =	ssyncset.done $0x0  }
0xa0: {  	[sflag:s22] =	ssyncadd.s32 s4;
	_ =	sdelay $0x1  }
0xa1: {  	s23 =	simm.s32 $0x1B8B  }
0xa2: {  	_ =	swait.ge [sflag:s23], $0x1  }
0xa3: {  	[sflag:s23] =	ssyncset.done $0x0  }
0xa4: {  	s25 =	simm.s32 $0x1B8E;
	s24 =	sld [smem:$0x3FFE];
	[sflag:s23] =	ssyncadd.s32 $0xFFFFFFFF  }
0xa5: {  	s26 =	simm.s32 $execute0_lowered;
	[smem:$0x3FD2] =	sst s25  }
0xa6: {  	s5 =	sshll.u32 s26, $0x1;
	_ =	strace $0x80000049;
	[dreg:$0x1] =	wrdreg $0xFFFFFFFF  }
0xa7: {  	s28 =	simm.s32 $_size_execute0_lowered;
	s3 =	sadd.s32 s3, s5;
	[dreg:$0x0] =	wrdreg $0x0  }
0xa8: {  	s5 =	sshll.u32 s28, $0x1;
	[dreg:$0x2] =	wrdreg s3  }
0xa9: {  	[dreg:$0x3] =	wrdreg s5  }
0xaa: {  	[dreg:$0x4] =	wrdreg $0xC0  }
0xab: {  	_ =	task [dreg:s7], $0x5FFFF  }
0xac: {  	[dreg:$0x1] =	wrdreg $0xFFFFFFFF  }
0xad: {  	[dreg:$0x0] =	wrdreg $0x60  }
0xae: {  	[dreg:$0x2] =	wrdreg s2  }
0xaf: {  	[dreg:$0x3] =	wrdreg s24  }
0xb0: {  	[dreg:$0x4] =	wrdreg $0x10F000  }
0xb1: {  	[dreg:$0x5] =	wrdreg $0x9  }
0xb2: {  	_ =	task.clear_ibuf [dreg:s7], $0x6FFFF;
	_ =	strace $0x90000049  }
0xb3: {  	s29 =	simm.s32 $0x9;
	_ =	strace $0x8000004B  }
0xb4: {  	_ =	swait.ge [sflag:s29], $0x1  }
0xb5: {  	[sflag:s29] =	ssyncadd.s32 $0xFFFFFFFF  }
0xb6: {  	_ =	strace $0x9000004B  }
0xb7: {  	_ =	sfence  }
0xb8: {  	s30 =	sld [smem:$0x0];
	_ =	sdelay $0x2  }
0xb9: {  	s31 =	sshll.u32 s1, $0xD;
	s1 =	sshrl.u32 s1, $0x2  }
0xba: {  	s3 =	sand.u32 $0x4000, s31;
	s1 =	sadd.s32 s1, s30  }
0xbb: {  	s0 =	sor.u32 s3, s0;
	s1 =	sshll.u32 s1, $0x11  }
0xbc: {  	s0 =	sor.u32 s1, s0  }
0xbd: {  	s0 =	sadd.s32 $0x8F2B, s0  }
0xbe: {  	[sflag:s0] =	ssyncadd.remote.s32 $0x1  }
0xbf: {  	_ =	sfence.sel $0xFFFF  }
0xc0: {  	[dreg:$0x0] =	wrdreg $0xFFFFFFFF;
	(pc) =	sbr.abs _section_cstart, $3  }
0xc1: {  	[dreg:$0x1] =	wrdreg $0xFFFFFFFF  }
0xc2: {  	_ =	task.clear_ibuf [dreg:s7], $0x2FFFF;
	_ =	strace $0x9FFFFFFF  }
0xc3: {  	(tm) =	ssettm $0x7FFFFFFF  }
tec
execute0_lowered:
.L_overlay_start_1:
0x0: {  	(tag) =	ssettag $0x1  }
0x1: {  	s1 =	rddreg [dreg:$0x0]  }
0x2: {  	s6 =	rddreg [dreg:$0x1]  }
0x3: {  	s3 =	rddreg [dreg:$0x2]  }
0x4: {  	s0 =	rddreg [dreg:$0x3]  }
0x5: {  	s4 =	srdreg.scid;
	s2 =	stileid.u32;
	s13 =	simm.s32 $0x2780  }
0x6: {  	s14 =	simm.s32 $0x80;
	s15 =	simm.s32 $0x4F00;
	s16 =	simm.s32 $0x0  }
0x7: {  	s5 =	sand.u32 $0x1, s4;
	s7 =	sshll.u32 s2, $0x1;
	s8 =	smul.u32 $0xA000, s2  }
0x8: {  	s4 =	simm.s32 $0x0;
	s7 =	sor.u32 s5, s7;
	s9 =	smul.u32 $0xA0000, s5  }
0x9: {  	[smem:$0x7FF] =	sst s4;
	s30 =	ssub.s32 $0x2, s5;
	s5 =	sadd.s32 $0x3CE00, s6  }
0xa: {  	s7 =	smul.u32 $0x4F0, s7;
	s31 =	sshrl.u32 s30, $0x1;
	s9 =	sadd.s32 s8, s9  }
0xb: {  	_ =	strace $0x8000004A;
	s12 =	ssub.s32 s30, s31;
	s29 =	sshrl.u32 s9, $0x3  }
0xc: {  	s10 =	sadd.s32 s7, s6;
	s11 =	sadd.s32 s29, s6;
	s6 =	sadd.s32 s8, s3  }
0xd: {  	s7 =	sadd.s32 $0x33000, s10;
	s8 =	sadd.s32 $0x29200, s10;
	s10 =	smax.u32 s12, $0x1  }
0xe: {  	s12 =	simm.s32 $0x1;
	s9 =	sadd.s32 $0x3E600, s11;
	s11 =	simm.s32 $0x6F00  }
.LBB2_1:
0xf: {  	[tilespmem:s11], [sflag:$0x1] =	stream.linear.gather [hbm4b:s5+s4], $0xA000, $0x38;
	[tilespmem:$0x1AF00] =	vst v63  }
0x10: {  	_ =	swait.ge [sflag:s12], $0xA000  }
0x11: {  	[sflag:s12] =	ssyncset.done $0x0  }
0x12: {  	[sflag:s12] =	ssyncadd.s32 $0xFFFF6000  }
0x13: {  	[spmem:s6] =	stream.linear.scatter [tilespmem:s11], [sflag:$0x1], $0xA000, $0x38;
	[tilespmem:$0x1AF00] =	vst v63  }
0x14: {  	_ =	swait.ge [sflag:s12], $0xA000  }
0x15: {  	[sflag:s12] =	ssyncset.done $0x0  }
0x16: {  	[sflag:s12] =	ssyncadd.s32 $0xFFFF6000  }
0x17: {  	[tilespmem:s4], [sflag:$0x1] =	stream.linear.gather [hbm4b:s7+s4], $0x2780, $0x38;
	[tilespmem:$0x1AF00] =	vst v63  }
0x18: {  	_ =	swait.ge [sflag:s12], $0x2780  }
0x19: {  	[sflag:s12] =	ssyncset.done $0x0  }
0x1a: {  	[sflag:s12] =	ssyncadd.s32 $0xFFFFD880  }
0x1b: {  	[tilespmem:s13], [sflag:$0x1] =	stream.linear.gather [hbm4b:s8+s4], $0x2780, $0x38;
	[tilespmem:$0x1AF00] =	vst v63  }
0x1c: {  	_ =	swait.ge [sflag:s12], $0x2780  }
0x1d: {  	[sflag:s12] =	ssyncset.done $0x0  }
0x1e: {  	[sflag:s12] =	ssyncadd.s32 $0xFFFFD880  }
0x1f: {  	s17 =	simm.s32 $0x0;
	[bflag:$0x0] =	sbarrier.arrive $0xFFFF  }
0x20: {  	[tilespmem:s15], [sflag:$0x1] =	stream.indirect.gather [hbm4b:s1+s14], $0x40, s17, s14, $0xb8;
	[tilespmem:$0x1AF00] =	vst v63  }
0x21: {  	_ =	swait.ge [sflag:s12], $0x2000  }
0x22: {  	[sflag:s12] =	ssyncset.done $0x0  }
0x23: {  	s31 =	simm.s32 $0x2780;
	[sflag:s12] =	ssyncadd.s32 $0xFFFFE000  }
0x24: {  	[spmem:s3] =	stream.indirect.scatter.add.f32 [tilespmem:s15], [sflag:$0x1], $0x40, s31, s14, $0xb8;
	[tilespmem:$0x1AF00] =	vst v63  }
0x25: {  	_ =	swait.ge [sflag:s12], $0x2000  }
0x26: {  	s18 =	simm.s32 $0x400;
	s17 =	simm.s32 $0x200;
	[sflag:s12] =	ssyncset.done $0x0  }
.LBB2_2:
0x27: {  	s19 =	sshra.s32 s17, $0x2  }
0x28: {  	[sflag:s12] =	ssyncadd.s32 $0xFFFFE000;
	s17 =	smov.u32 s18;
	s20 =	sadd.s32 $0x200, s18  }
0x29: {  	[tilespmem:s15], [sflag:$0x1] =	stream.indirect.gather [hbm4b:s1+s14], $0x40, s19, s14, $0xb8;
	[tilespmem:$0x1AF00] =	vst v63  }
0x2a: {  	p0 =	sne.s32 s18, $0x9C00;
	_ =	swait.ge [sflag:s12], $0x2000  }
.Ltmp0:
0x2b: {  	[sflag:s12] =	ssyncset.done $0x0;
	(pc) =	sbr.rel @p0 .LBB2_2-.Ltmp0, $4  }
0x2c: {  	s18 =	sadd.s32 $0x2780, s19;
	[sflag:s12] =	ssyncadd.s32 $0xFFFFE000  }
0x2d: {  	[spmem:s3] =	stream.indirect.scatter.add.f32 [tilespmem:s15], [sflag:$0x1], $0x40, s18, s14, $0xb8;
	[tilespmem:$0x1AF00] =	vst v63  }
0x2e: {  	_ =	swait.ge [sflag:s12], $0x2000  }
0x2f: {  	s18 =	smov.u32 s20;
	[sflag:s12] =	ssyncset.done $0x0  }
0x30: {  	s17 =	sshra.s32 s17, $0x2;
	[sflag:s12] =	ssyncadd.s32 $0xFFFFE000  }
0x31: {  	[tilespmem:s15], [sflag:$0x1] =	stream.indirect.gather [hbm4b:s1+s14], $0x40, s17, s14, $0xb8;
	[tilespmem:$0x1AF00] =	vst v63  }
0x32: {  	_ =	swait.ge [sflag:s12], $0x2000  }
0x33: {  	[sflag:s12] =	ssyncset.done $0x0  }
0x34: {  	s17 =	sadd.s32 $0x2780, s17;
	[sflag:s12] =	ssyncadd.s32 $0xFFFFE000  }
0x35: {  	[spmem:s3] =	stream.indirect.scatter.add.f32 [tilespmem:s15], [sflag:$0x1], $0x40, s17, s14, $0xb8;
	[tilespmem:$0x1AF00] =	vst v63  }
0x36: {  	_ =	swait.ge [sflag:s12], $0x2000  }
0x37: {  	[sflag:s12] =	ssyncset.done $0x0  }
0x38: {  	[sflag:s12] =	ssyncadd.s32 $0xFFFFE000  }
0x39: {  	[bflag:$0x0] =	sbarrier.arrive $0xFFFF  }
0x3a: {  	[tilespmem:s11], [sflag:$0x1] =	stream.linear.gather [spmem:s6], $0xA000, $0x38;
	[tilespmem:$0x1AF00] =	vst v63  }
0x3b: {  	s16 =	sadd.s32 $0x1, s16;
	_ =	swait.ge [sflag:s12], $0xA000  }
0x3c: {  	p0 =	sne.s32 s16, s10;
	[sflag:s12] =	ssyncset.done $0x0  }
.Ltmp1:
0x3d: {  	[sflag:s12] =	ssyncadd.s32 $0xFFFF6000;
	(pc) =	sbr.rel @p0 .LBB2_1-.Ltmp1, $4  }
0x3e: {  	[hbm4b:s9+s4] =	stream.linear.scatter [tilespmem:s11], [sflag:$0x1], $0xA000, $0x38;
	[tilespmem:$0x1AF00] =	vst v63  }
0x3f: {  	_ =	swait.ge [sflag:s12], $0xA000  }
0x40: {  	[sflag:s12] =	ssyncset.done $0x0  }
0x41: {  	[sflag:s12] =	ssyncadd.s32 $0xFFFF6000  }
0x42: {  	_ =	sfence.sel $0x180000  }
0x43: {  	[bflag:$0x0] =	sbarrier.arrive $0xFFFF  }
0x44: {  	p0 =	sne.s32 s2, $0x0;
	_ =	strace $0x9000004A  }
0x45: {  	s0 =	sadd.s32 @!p0 $0x100000, s0;
	[bflag:$0x2] =	sbarrier.arrive $0xFFFF  }
0x46: {  	[sflag:s0] =	ssyncadd.tile.s32 @!p0 $0x1;
	_ =	shalt  }
.Lfunc_end2:
_tile_overlayer_lowered:
.L_overlay_start_2:
0x47: {  	(tag) =	ssettag $0x2  }
0x48: {  	s0 =	rddreg [dreg:$0x0];
	s2 =	stileid.u32  }
0x49: {  	s1 =	rddreg [dreg:$0x1];
	p0 =	sne.s32 s2, $0x0  }
0x4a: {  	s3 =	rddreg [dreg:$0x2];
	[bflag:$0x3] =	sbarrier.arrive $0xFFFF;
	s2 =	simm.s32 @!p0 $0x1C01  }
0x4b: {  	[timem:s3], [sflag:s2] =	dma.local @!p0 [hbm:s0], s1  }
0x4c: {  	s0 =	simm.s32 @!p0 $0x1  }
0x4d: {  	_ =	swait.ge @!p0 [sflag:s0], s1  }
0x4e: {  	s1 =	ssub.s32 @!p0 $0x0, s1;
	[sflag:s0] =	ssyncset.done @!p0 $0x0  }
0x4f: {  	[sflag:s0] =	ssyncadd.s32 @!p0 s1  }
0x50: {  	[bflag:$0x3] =	sbarrier.arrive $0xFFFF  }
0x51: {  	_ =	shalt  }

// kernel: kernel.7.cloned.1.call-start
scs
__scs_entry_jumppad:
0x0: {  	(pc) =	sbr.rel $0x88, $3  }
0x1: {  	(tag) =	ssettag $0x0;
	lr =	simm.s32 $0x1  }
0x2: {  	[smem:$0x3F99] =	sst lr;
	_ =	strace $0xD0000000  }
0x3: {  	_ = 	snop  }
0x4: {  	_ = 	snop  }
0x5: {  	_ = 	snop  }
0x6: {  	_ = 	snop  }
0x7: {  	_ = 	snop  }
__scs_overlays_trampoline_lowered:
0x8: {  	[smem:$0x3FA8] =	sst s0  }
0x9: {  	[smem:$0x3FA9] =	sst s1  }
0xa: {  	[smem:$0x3FAA] =	sst s2  }
0xb: {  	[smem:$0x3FAB] =	sst s3  }
0xc: {  	[smem:$0x3FAC] =	sst s4  }
0xd: {  	[smem:$0x3FAD] =	sst s5  }
0xe: {  	[smem:$0x3FAE] =	sst s6  }
0xf: {  	[smem:$0x3FAF] =	sst s7  }
0x10: {  	[smem:$0x3FB0] =	sst s8  }
0x11: {  	[smem:$0x3FB1] =	sst s9;
	s0 =	simm.s32 @!p0 $0x0  }
0x12: {  	s1 =	sld [smem:$0x3F97];
	s0 =	simm.s32 @p0 $0x1  }
0x13: {  	[smem:$0x3FB2] =	sst s0;
	s0 =	simm.s32 @!p1 $0x0  }
0x14: {  	s2 =	sld [smem:$0x3F96];
	s0 =	simm.s32 @p1 $0x1  }
0x15: {  	[smem:$0x3FB3] =	sst s0;
	s0 =	simm.s32 @!p2 $0x0  }
0x16: {  	s3 =	sld [smem:$0x3FDB];
	s0 =	simm.s32 @p2 $0x1  }
0x17: {  	s4 =	simm.s32 $0x1BF5;
	[smem:$0x3FB5] =	sst s0  }
0x18: {  	s0 =	sld [smem:$0x3F98];
	_ =	swait.ge [sflag:s4], $0x0  }
0x19: {  	s7 =	sld [smem:$0x3F99]  }
0x1a: {  	s8 =	sadd.s32 $0xFFFFE003, lr  }
0x1b: {  	s9 =	sadd.s32 $0xFFFFFEF7, lr;
	s5 =	simm.s32 $0xFFFFFFFF;
	p2 =	slt.u32 s8, $0xFFFFF086  }
0x1c: {  	p1 =	slt.u32 s9, $0xF7A;
	s5 =	simm.s32 @!p2 $0x0  }
0x1d: {  	s5 =	simm.s32 @p1 $0x1;
	p0 =	seq.s32 s7, s2  }
0x1e: {  	s7 =	smul.u32 @!p0 $0xF7A, s2;
	p2 =	seq.s32 @!p0 s5, $0x0  }
0x1f: {  	s9 =	smul.u32 $0xF7A, s1;
	s8 =	simm.s32 @!p0 $0x1BF5;
	p2 =	por !p2, p0  }
0x20: {  	[sflag:s8] =	ssyncset.s32 @!p0 $0xFFFFF086;
	s6 =	sadd.s32 @!p0 s3, s7;
	s7 =	simm.s32 @!p0 $0x108  }
0x21: {  	s3 =	sadd.s32 s3, s9;
	s6 =	sadd.s32 @!p0 $0x88, s6;
	s7 =	simm.s32 @p2 $0x1082  }
0x22: {  	[simem:s7], [sflag:s8] =	dma.local @!p0 [hbm:s6], $0xF7A  }
0x23: {  	s9 =	sor.u32 $0xD0000000, s2;
	s6 =	simm.s32 $0x108;
	_ =	swait.ge @!p0 [sflag:s8], $0x0  }
0x24: {  	s3 =	sadd.s32 $0x88, s3;
	s6 =	simm.s32 @!p1 $0x1082;
	[sflag:s4] =	ssyncset.s32 $0xFFFFF086  }
0x25: {  	[simem:s6], [sflag:s4] =	dma.local [hbm:s3], $0xF7A  }
0x26: {  	[smem:$0x3F99] =	sst s1;
	(tag) =	ssettag s2;
	_ =	strace s9  }
0x27: {  	s1 =	sld [smem:$0x3FA9]  }
0x28: {  	s2 =	sld [smem:$0x3FAA]  }
0x29: {  	s4 =	sld [smem:$0x3FAC]  }
0x2a: {  	p0 =	seq.s32 s5, $0x0;
	s5 =	sld [smem:$0x3FAD]  }
0x2b: {  	s6 =	sld [smem:$0x3FAE]  }
0x2c: {  	s7 =	sld [smem:$0x3FAF]  }
0x2d: {  	s3 =	simm.s32 $0x108;
	s8 =	sld [smem:$0x3FB0]  }
0x2e: {  	s3 =	simm.s32 @!p0 $0x1082;
	s9 =	sld [smem:$0x3FB1]  }
0x2f: {  	lr =	sadd.s32 s0, s3;
	s0 =	sld [smem:$0x3FA8]  }
0x30: {  	s3 =	sld [smem:$0x3FAB]  }
0x31: {  	[smem:$0x3FB4] =	sst s10  }
0x32: {  	s10 =	sld [smem:$0x3FB2];
	_ =	sdelay $0x3  }
0x33: {  	p0 =	seq.s32 s10, $0x1;
	s10 =	sld [smem:$0x3FB4];
	_ =	sdelay $0x3  }
0x34: {  	[smem:$0x3FB4] =	sst s10  }
0x35: {  	s10 =	sld [smem:$0x3FB3];
	_ =	sdelay $0x3  }
0x36: {  	p1 =	seq.s32 s10, $0x1;
	s10 =	sld [smem:$0x3FB4];
	_ =	sdelay $0x3  }
0x37: {  	[smem:$0x3FB4] =	sst s10  }
0x38: {  	s10 =	sld [smem:$0x3FB5]  }
0x39: {  	_ = 	snop;
	(pc) =	sbr.ind lr, $3  }
0x3a: {  	_ = 	snop  }
0x3b: {  	_ = 	snop  }
0x3c: {  	p2 =	seq.s32 s10, $0x1;
	s10 =	sld [smem:$0x3FB4]  }
0x3d: {  	_ =	shalt  }
0x3e: {  	_ =	shalt  }
0x3f: {  	_ =	shalt  }
0x40: {  	_ =	shalt  }
0x41: {  	_ =	shalt  }
0x42: {  	_ =	shalt  }
0x43: {  	_ =	shalt  }
0x44: {  	_ =	shalt  }
0x45: {  	_ =	shalt  }
0x46: {  	_ =	shalt  }
0x47: {  	_ =	shalt  }
0x48: {  	_ =	shalt  }
0x49: {  	_ =	shalt  }
0x4a: {  	_ =	shalt  }
0x4b: {  	_ =	shalt  }
0x4c: {  	_ =	shalt  }
0x4d: {  	_ =	shalt  }
0x4e: {  	_ =	shalt  }
0x4f: {  	_ =	shalt  }
0x50: {  	_ =	shalt  }
0x51: {  	_ =	shalt  }
0x52: {  	_ =	shalt  }
0x53: {  	_ =	shalt  }
0x54: {  	_ =	shalt  }
0x55: {  	_ =	shalt  }
0x56: {  	_ =	shalt  }
0x57: {  	_ =	shalt  }
0x58: {  	_ =	shalt  }
0x59: {  	_ =	shalt  }
0x5a: {  	_ =	shalt  }
0x5b: {  	_ =	shalt  }
0x5c: {  	_ =	shalt  }
0x5d: {  	_ =	shalt  }
0x5e: {  	_ =	shalt  }
0x5f: {  	_ =	shalt  }
0x60: {  	_ =	shalt  }
0x61: {  	_ =	shalt  }
0x62: {  	_ =	shalt  }
0x63: {  	_ =	shalt  }
0x64: {  	_ =	shalt  }
0x65: {  	_ =	shalt  }
0x66: {  	_ =	shalt  }
0x67: {  	_ =	shalt  }
0x68: {  	_ =	shalt  }
0x69: {  	_ =	shalt  }
0x6a: {  	_ =	shalt  }
0x6b: {  	_ =	shalt  }
0x6c: {  	_ =	shalt  }
0x6d: {  	_ =	shalt  }
0x6e: {  	_ =	shalt  }
0x6f: {  	_ =	shalt  }
0x70: {  	_ =	shalt  }
0x71: {  	_ =	shalt  }
0x72: {  	_ =	shalt  }
0x73: {  	_ =	shalt  }
0x74: {  	_ =	shalt  }
0x75: {  	_ =	shalt  }
0x76: {  	_ =	shalt  }
0x77: {  	_ =	shalt  }
0x78: {  	_ =	shalt  }
0x79: {  	_ =	shalt  }
0x7a: {  	_ =	shalt  }
0x7b: {  	_ =	shalt  }
0x7c: {  	_ =	shalt  }
0x7d: {  	_ =	shalt  }
0x7e: {  	_ =	shalt  }
0x7f: {  	_ =	shalt  }
0x80: {  	_ =	shalt  }
0x81: {  	_ =	shalt  }
0x82: {  	_ =	shalt  }
0x83: {  	_ =	shalt  }
0x84: {  	_ =	shalt  }
0x85: {  	_ =	shalt  }
0x86: {  	_ =	shalt  }
0x87: {  	_ =	shalt  }
.Lfunc_end0:
.L_simem_size_0:
called_computation_lowered:
.L_overlay_start_0:
0x88: {  	s2 =	sld [smem:$0x3FD9]  }
0x89: {  	s3 =	sld [smem:$0x3FFE];
	_ =	sdelay $0x1  }
0x8a: {  	s1 =	srdreg.scid  }
0x8b: {  	s0 =	sand.u32 $0x1, s1  }
0x8c: {  	s17 =	sshll.u32 s0, $0xA;
	s2 =	sadd.s32 s3, s2  }
0x8d: {  	s2 =	sadd.s32 s2, s17  }
0x8e: {  	[smem:$0x3FC0] =	sst s2  }
0x8f: {  	_ = 	snop  }
0x90: {  	s2 =	sld [smem:$0x3FD0];
	(tm) =	ssettm $0x1  }
0x91: {  	s18 =	sld [smem:$0x3FFB];
	_ =	sdelay $0x3  }
0x92: {  	_ =	strace s18  }
0x93: {  	s3 =	sld [smem:$0x3FFC];
	_ =	sdelay $0x3  }
0x94: {  	_ =	strace s3  }
0x95: {  	s3 =	sld [smem:$0x3FFD];
	_ =	sdelay $0x3  }
0x96: {  	_ =	strace s3  }
0x97: {  	_ =	strace $0x8FFFFFFF  }
0x98: {  	s19 =	sld [smem:$0x3FDB];
	_ =	sdelay $0x1  }
0x99: {  	s4 =	simm.s32 $_scs_section_size  }
0x9a: {  	s5 =	simm.s32 $_size__tile_overlayer_lowered;
	s6 =	simm.s32 $_tile_overlayer_lowered  }
0x9b: {  	s22 =	simm.s32 $0x1BFF;
	s21 =	sshll.u32 s6, $0x1;
	s3 =	sadd.s32 s4, s19  }
0x9c: {  	s7 =	simm.s32 $0x0;
	s20 =	sshll.u32 s5, $0x1;
	s5 =	sadd.s32 s21, s3  }
0x9d: {  	[timem:s7], [sflag:s22] =	dma.local [hbm:s5], s20  }
0x9e: {  	_ =	swait.ge [sflag:s22], s20  }
0x9f: {  	s4 =	ssub.s32 $0x0, s20;
	[sflag:s22] =	ssyncset.done $0x0  }
0xa0: {  	[sflag:s22] =	ssyncadd.s32 s4;
	_ =	sdelay $0x1  }
0xa1: {  	s23 =	simm.s32 $0x1B8B  }
0xa2: {  	_ =	swait.ge [sflag:s23], $0x1  }
0xa3: {  	[sflag:s23] =	ssyncset.done $0x0  }
0xa4: {  	s25 =	simm.s32 $0x1B8E;
	s24 =	sld [smem:$0x3FFE];
	[sflag:s23] =	ssyncadd.s32 $0xFFFFFFFF  }
0xa5: {  	s26 =	simm.s32 $execute0_lowered;
	[smem:$0x3FD2] =	sst s25  }
0xa6: {  	s5 =	sshll.u32 s26, $0x1;
	_ =	strace $0x80000046;
	[dreg:$0x1] =	wrdreg $0xFFFFFFFF  }
0xa7: {  	s28 =	simm.s32 $_size_execute0_lowered;
	s3 =	sadd.s32 s3, s5;
	[dreg:$0x0] =	wrdreg $0x0  }
0xa8: {  	s5 =	sshll.u32 s28, $0x1;
	[dreg:$0x2] =	wrdreg s3  }
0xa9: {  	[dreg:$0x3] =	wrdreg s5  }
0xaa: {  	[dreg:$0x4] =	wrdreg $0xC0  }
0xab: {  	_ =	task [dreg:s7], $0x5FFFF  }
0xac: {  	[dreg:$0x1] =	wrdreg $0xFFFFFFFF  }
0xad: {  	[dreg:$0x0] =	wrdreg $0x60  }
0xae: {  	[dreg:$0x2] =	wrdreg s2  }
0xaf: {  	[dreg:$0x3] =	wrdreg s24  }
0xb0: {  	[dreg:$0x4] =	wrdreg $0x112000  }
0xb1: {  	[dreg:$0x5] =	wrdreg $0x1B2000  }
0xb2: {  	[dreg:$0x6] =	wrdreg $0x9  }
0xb3: {  	_ =	task.clear_ibuf [dreg:s7], $0x7FFFF;
	_ =	strace $0x90000046  }
0xb4: {  	s29 =	simm.s32 $0x9;
	_ =	strace $0x80000048  }
0xb5: {  	_ =	swait.ge [sflag:s29], $0x1  }
0xb6: {  	[sflag:s29] =	ssyncadd.s32 $0xFFFFFFFF  }
0xb7: {  	_ =	strace $0x90000048  }
0xb8: {  	_ =	sfence  }
0xb9: {  	s30 =	sld [smem:$0x0];
	_ =	sdelay $0x2  }
0xba: {  	s31 =	sshll.u32 s1, $0xD;
	s1 =	sshrl.u32 s1, $0x2  }
0xbb: {  	s3 =	sand.u32 $0x4000, s31;
	s1 =	sadd.s32 s1, s30  }
0xbc: {  	s0 =	sor.u32 s3, s0;
	s1 =	sshll.u32 s1, $0x11  }
0xbd: {  	s0 =	sor.u32 s1, s0  }
0xbe: {  	s0 =	sadd.s32 $0x8F2B, s0  }
0xbf: {  	[sflag:s0] =	ssyncadd.remote.s32 $0x1  }
0xc0: {  	_ =	sfence.sel $0xFFFF  }
0xc1: {  	[dreg:$0x0] =	wrdreg $0xFFFFFFFF;
	(pc) =	sbr.abs _section_cstart, $3  }
0xc2: {  	[dreg:$0x1] =	wrdreg $0xFFFFFFFF  }
0xc3: {  	_ =	task.clear_ibuf [dreg:s7], $0x2FFFF;
	_ =	strace $0x9FFFFFFF  }
0xc4: {  	(tm) =	ssettm $0x7FFFFFFF  }
0xc5: {  	_ =	shalt  }
tec
execute0_lowered:
.L_overlay_start_1:
0x0: {  	(tag) =	ssettag $0x1  }
0x1: {  	s1 =	rddreg [dreg:$0x0]  }
0x2: {  	s10 =	rddreg [dreg:$0x1]  }
0x3: {  	s2 =	srdreg.scid;
	s3 =	rddreg [dreg:$0x2]  }
0x4: {  	s0 =	stileid.u32;
	s4 =	rddreg [dreg:$0x3];
	s5 =	simm.s32 $0x0  }
0x5: {  	s18 =	simm.s32 $0x10F00;
	s19 =	simm.s32 $0x2780;
	s20 =	simm.s32 $0x11180  }
0x6: {  	s21 =	simm.s32 $0x80;
	s22 =	simm.s32 $0x4F00;
	s11 =	smul.u32 $0xA000, s0  }
0x7: {  	s23 =	simm.s32 $0x0;
	s9 =	sand.u32 $0x1, s2;
	s13 =	smul.u32 $0x280, s0  }
0x8: {  	s31 =	sshll.u32 s0, $0x1;
	[smem:$0x7FF] =	sst s5;
	s12 =	smul.u32 $0xA0000, s9  }
0x9: {  	s7 =	sadd.s32 $0x3E200, s10;
	s2 =	sor.u32 s9, s31;
	s15 =	smul.u32 $0x2800, s9  }
0xa: {  	s8 =	sadd.s32 $0x3E400, s10;
	s9 =	ssub.s32 $0x2, s9;
	s6 =	smul.u32 $0x4F0, s2  }
0xb: {  	s2 =	rddreg [dreg:$0x4];
	_ =	strace $0x80000047;
	s16 =	sshrl.u32 s9, $0x1  }
0xc: {  	s12 =	sadd.s32 s11, s12;
	s15 =	sadd.s32 s13, s15;
	s16 =	ssub.s32 s9, s16  }
0xd: {  	s9 =	sadd.s32 s11, s3;
	s14 =	sadd.s32 s6, s10;
	s12 =	sshrl.u32 s12, $0x3  }
0xe: {  	s6 =	sadd.s32 $0x3CE00, s10;
	s15 =	sshrl.u32 s15, $0x3;
	s17 =	sadd.s32 s12, s10  }
0xf: {  	s15 =	sadd.s32 s15, s10;
	s10 =	sadd.s32 s13, s4;
	s11 =	sadd.s32 $0x33000, s14  }
0x10: {  	s12 =	sadd.s32 $0x29200, s14;
	s13 =	sadd.s32 $0x3E600, s17;
	s14 =	sadd.s32 $0x66600, s15  }
0x11: {  	s15 =	smax.u32 s16, $0x1;
	s16 =	simm.s32 $0x6F00;
	s17 =	simm.s32 $0x1  }
.LBB2_1:
0x12: {  	[tilespmem:s16], [sflag:$0x1] =	stream.linear.gather [hbm4b:s6+s5], $0xA000, $0x38;
	[tilespmem:$0x1B480] =	vst v63  }
0x13: {  	_ =	swait.ge [sflag:s17], $0xA000  }
0x14: {  	[sflag:s17] =	ssyncset.done $0x0  }
0x15: {  	[sflag:s17] =	ssyncadd.s32 $0xFFFF6000  }
0x16: {  	[spmem:s9] =	stream.linear.scatter [tilespmem:s16], [sflag:$0x1], $0xA000, $0x38;
	[tilespmem:$0x1B480] =	vst v63  }
0x17: {  	_ =	swait.ge [sflag:s17], $0xA000  }
0x18: {  	[sflag:s17] =	ssyncset.done $0x0  }
0x19: {  	[sflag:s17] =	ssyncadd.s32 $0xFFFF6000  }
0x1a: {  	[tilespmem:s18], [sflag:$0x1] =	stream.linear.gather [hbm4b:s7+s5], $0x280, $0x38;
	[tilespmem:$0x1B480] =	vst v63  }
0x1b: {  	_ =	swait.ge [sflag:s17], $0x280  }
0x1c: {  	[sflag:s17] =	ssyncset.done $0x0  }
0x1d: {  	[sflag:s17] =	ssyncadd.s32 $0xFFFFFD80  }
0x1e: {  	[spmem:s10] =	stream.linear.scatter [tilespmem:s18], [sflag:$0x1], $0x280, $0x38;
	[tilespmem:$0x1B480] =	vst v63  }
0x1f: {  	_ =	swait.ge [sflag:s17], $0x280  }
0x20: {  	[sflag:s17] =	ssyncset.done $0x0  }
0x21: {  	[sflag:s17] =	ssyncadd.s32 $0xFFFFFD80  }
0x22: {  	[tilespmem:s5], [sflag:$0x1] =	stream.linear.gather [hbm4b:s11+s5], $0x2780, $0x38;
	[tilespmem:$0x1B480] =	vst v63  }
0x23: {  	_ =	swait.ge [sflag:s17], $0x2780  }
0x24: {  	[sflag:s17] =	ssyncset.done $0x0  }
0x25: {  	[sflag:s17] =	ssyncadd.s32 $0xFFFFD880  }
0x26: {  	[tilespmem:s19], [sflag:$0x1] =	stream.linear.gather [hbm4b:s12+s5], $0x2780, $0x38;
	[tilespmem:$0x1B480] =	vst v63  }
0x27: {  	_ =	swait.ge [sflag:s17], $0x2780  }
0x28: {  	[sflag:s17] =	ssyncset.done $0x0  }
0x29: {  	[sflag:s17] =	ssyncadd.s32 $0xFFFFD880  }
0x2a: {  	[tilespmem:s20], [sflag:$0x1] =	stream.linear.gather [hbm4b:s8+s5], $0x80, $0x38;
	[tilespmem:$0x1B480] =	vst v63  }
0x2b: {  	_ =	swait.ge [sflag:s17], $0x80  }
0x2c: {  	[sflag:s17] =	ssyncset.done $0x0  }
0x2d: {  	[sflag:s17] =	ssyncadd.s32 $0xFFFFFF80  }
0x2e: {  	s24 =	simm.s32 $0x0;
	[bflag:$0x0] =	sbarrier.arrive $0xFFFF  }
0x2f: {  	[tilespmem:s22], [sflag:$0x1] =	stream.indirect.gather [hbm4b:s1+s21], $0x40, s24, s21, $0xb8;
	[tilespmem:$0x1B480] =	vst v63  }
0x30: {  	_ =	swait.ge [sflag:s17], $0x2000  }
0x31: {  	[sflag:s17] =	ssyncset.done $0x0  }
0x32: {  	s31 =	simm.s32 $0x2780;
	[sflag:s17] =	ssyncadd.s32 $0xFFFFE000  }
0x33: {  	[spmem:s3] =	stream.indirect.scatter.add.f32 [tilespmem:s22], [sflag:$0x1], $0x40, s31, s21, $0xb8;
	[tilespmem:$0x1B480] =	vst v63  }
0x34: {  	_ =	swait.ge [sflag:s17], $0x2000  }
0x35: {  	[sflag:s17] =	ssyncset.done $0x0  }
0x36: {  	[sflag:s17] =	ssyncadd.s32 $0xFFFFE000  }
0x37: {  	[spmem:s4] =	stream.indirect.scatter.add.f32 [tilespmem:s20], [sflag:$0x1], $0x1, s31, s21, $0xb8;
	[tilespmem:$0x1B480] =	vst v63  }
0x38: {  	_ =	swait.ge [sflag:s17], $0x80  }
0x39: {  	s25 =	simm.s32 $0x400;
	s24 =	simm.s32 $0x200;
	[sflag:s17] =	ssyncset.done $0x0  }
.LBB2_2:
0x3a: {  	s26 =	sshra.s32 s24, $0x2  }
0x3b: {  	[sflag:s17] =	ssyncadd.s32 $0xFFFFFF80;
	s24 =	smov.u32 s25;
	s28 =	sadd.s32 $0x200, s25  }
0x3c: {  	[tilespmem:s22], [sflag:$0x1] =	stream.indirect.gather [hbm4b:s1+s21], $0x40, s26, s21, $0xb8;
	[tilespmem:$0x1B480] =	vst v63  }
0x3d: {  	p0 =	sne.s32 s25, $0x9C00;
	_ =	swait.ge [sflag:s17], $0x2000  }
0x3e: {  	[sflag:s17] =	ssyncset.done $0x0  }
0x3f: {  	s25 =	sadd.s32 $0x2780, s26;
	[sflag:s17] =	ssyncadd.s32 $0xFFFFE000  }
0x40: {  	[spmem:s3] =	stream.indirect.scatter.add.f32 [tilespmem:s22], [sflag:$0x1], $0x40, s25, s21, $0xb8;
	[tilespmem:$0x1B480] =	vst v63  }
0x41: {  	_ =	swait.ge [sflag:s17], $0x2000  }
.Ltmp0:
0x42: {  	[sflag:s17] =	ssyncset.done $0x0;
	(pc) =	sbr.rel @p0 .LBB2_2-.Ltmp0, $4  }
0x43: {  	[sflag:s17] =	ssyncadd.s32 $0xFFFFE000  }
0x44: {  	[spmem:s4] =	stream.indirect.scatter.add.f32 [tilespmem:s20], [sflag:$0x1], $0x1, s25, s21, $0xb8;
	[tilespmem:$0x1B480] =	vst v63  }
0x45: {  	_ =	swait.ge [sflag:s17], $0x80  }
0x46: {  	s25 =	smov.u32 s28;
	[sflag:s17] =	ssyncset.done $0x0  }
0x47: {  	s24 =	sshra.s32 s24, $0x2;
	[sflag:s17] =	ssyncadd.s32 $0xFFFFFF80  }
0x48: {  	[tilespmem:s22], [sflag:$0x1] =	stream.indirect.gather [hbm4b:s1+s21], $0x40, s24, s21, $0xb8;
	[tilespmem:$0x1B480] =	vst v63  }
0x49: {  	_ =	swait.ge [sflag:s17], $0x2000  }
0x4a: {  	[sflag:s17] =	ssyncset.done $0x0  }
0x4b: {  	s24 =	sadd.s32 $0x2780, s24;
	[sflag:s17] =	ssyncadd.s32 $0xFFFFE000  }
0x4c: {  	[spmem:s3] =	stream.indirect.scatter.add.f32 [tilespmem:s22], [sflag:$0x1], $0x40, s24, s21, $0xb8;
	[tilespmem:$0x1B480] =	vst v63  }
0x4d: {  	_ =	swait.ge [sflag:s17], $0x2000  }
0x4e: {  	[sflag:s17] =	ssyncset.done $0x0  }
0x4f: {  	[sflag:s17] =	ssyncadd.s32 $0xFFFFE000  }
0x50: {  	[spmem:s4] =	stream.indirect.scatter.add.f32 [tilespmem:s20], [sflag:$0x1], $0x1, s24, s21, $0xb8;
	[tilespmem:$0x1B480] =	vst v63  }
0x51: {  	_ =	swait.ge [sflag:s17], $0x80  }
0x52: {  	[sflag:s17] =	ssyncset.done $0x0  }
0x53: {  	[sflag:s17] =	ssyncadd.s32 $0xFFFFFF80  }
0x54: {  	[bflag:$0x0] =	sbarrier.arrive $0xFFFF  }
0x55: {  	[tilespmem:s16], [sflag:$0x1] =	stream.linear.gather [spmem:s9], $0xA000, $0x38;
	[tilespmem:$0x1B480] =	vst v63  }
0x56: {  	_ =	swait.ge [sflag:s17], $0xA000  }
0x57: {  	[sflag:s17] =	ssyncset.done $0x0  }
0x58: {  	[sflag:s17] =	ssyncadd.s32 $0xFFFF6000  }
0x59: {  	[hbm4b:s13+s5] =	stream.linear.scatter [tilespmem:s16], [sflag:$0x1], $0xA000, $0x38;
	[tilespmem:$0x1B480] =	vst v63  }
0x5a: {  	_ =	swait.ge [sflag:s17], $0xA000  }
0x5b: {  	[sflag:s17] =	ssyncset.done $0x0  }
0x5c: {  	[sflag:s17] =	ssyncadd.s32 $0xFFFF6000  }
0x5d: {  	[tilespmem:s18], [sflag:$0x1] =	stream.linear.gather [spmem:s10], $0x280, $0x38;
	[tilespmem:$0x1B480] =	vst v63  }
0x5e: {  	s23 =	sadd.s32 $0x1, s23;
	_ =	swait.ge [sflag:s17], $0x280  }
0x5f: {  	p0 =	sne.s32 s23, s15;
	[sflag:s17] =	ssyncset.done $0x0  }
.Ltmp1:
0x60: {  	[sflag:s17] =	ssyncadd.s32 $0xFFFFFD80;
	(pc) =	sbr.rel @p0 .LBB2_1-.Ltmp1, $4  }
0x61: {  	[hbm4b:s14+s5] =	stream.linear.scatter [tilespmem:s18], [sflag:$0x1], $0x280, $0x38;
	[tilespmem:$0x1B480] =	vst v63  }
0x62: {  	_ =	swait.ge [sflag:s17], $0x280  }
0x63: {  	[sflag:s17] =	ssyncset.done $0x0  }
0x64: {  	[sflag:s17] =	ssyncadd.s32 $0xFFFFFD80  }
0x65: {  	_ =	sfence.sel $0x180000  }
0x66: {  	[bflag:$0x0] =	sbarrier.arrive $0xFFFF  }
0x67: {  	p0 =	sne.s32 s0, $0x0;
	_ =	strace $0x90000047  }
0x68: {  	s0 =	sadd.s32 @!p0 $0x100000, s2;
	[bflag:$0x2] =	sbarrier.arrive $0xFFFF  }
0x69: {  	[sflag:s0] =	ssyncadd.tile.s32 @!p0 $0x1;
	_ =	shalt  }
.Lfunc_end2:
_tile_overlayer_lowered:
.L_overlay_start_2:
0x6a: {  	(tag) =	ssettag $0x2  }
0x6b: {  	s0 =	rddreg [dreg:$0x0];
	s2 =	stileid.u32  }
0x6c: {  	s1 =	rddreg [dreg:$0x1];
	p0 =	sne.s32 s2, $0x0  }
0x6d: {  	s3 =	rddreg [dreg:$0x2];
	[bflag:$0x3] =	sbarrier.arrive $0xFFFF;
	s2 =	simm.s32 @!p0 $0x1C01  }
0x6e: {  	[timem:s3], [sflag:s2] =	dma.local @!p0 [hbm:s0], s1  }
0x6f: {  	s0 =	simm.s32 @!p0 $0x1  }
0x70: {  	_ =	swait.ge @!p0 [sflag:s0], s1  }
0x71: {  	s1 =	ssub.s32 @!p0 $0x0, s1;
	[sflag:s0] =	ssyncset.done @!p0 $0x0  }
0x72: {  	[sflag:s0] =	ssyncadd.s32 @!p0 s1  }
0x73: {  	[bflag:$0x3] =	sbarrier.arrive $0xFFFF  }
0x74: {  	_ =	shalt  }

</sc_bundles>
